<compile_context>
chip_gen: v7x
topology: tpu7x:2x2x1
jax: 0.10.2.dev20260603
libtpu: 0.0.44.dev20260713+nightly
codegen_flags: <defaults>
</compile_context>

<pallas_src>
import functools

import jax
import jax.numpy as jnp
from jax import lax
from jax.experimental import pallas as pl
from jax.experimental.pallas import tpu as pltpu
from jax.experimental.pallas import tpu_sc as plsc

N = 10000
E = 320000
DIN = 128
DH = 16
DOUT = 128

NC = 2
NS = 16
L = 16

NPAD = 10240
RPT = NPAD // NS
EPAD = 327680
CH = 128
EPW = EPAD // (NC * NS)
NCH = EPW // CH
RCH = 128

_mesh = plsc.VectorSubcoreMesh(core_axis_name="c", subcore_axis_name="s",
                               num_cores=NC, num_subcores=NS)
_sc_params = pltpu.CompilerParams(use_tc_tiling_on_sc=False)
_sc_params_nl = pltpu.CompilerParams(use_tc_tiling_on_sc=False,
                                     needs_layout_passes=False)



NHR = NPAD // L
HRT = NHR // NS
NRC = NHR // RCH


@functools.partial(
    pl.kernel,
    out_type=jax.ShapeDtypeStruct((NC, NHR, L), jnp.float32),
    mesh=_mesh,
    compiler_params=_sc_params_nl,
    scratch_types=[
        pltpu.VMEM_SHARED((NHR, L), jnp.float32),
        pltpu.VMEM((NHR, L), jnp.float32),
        pltpu.VMEM((2 * NCH, CH), jnp.int32),
        pltpu.VMEM((NRC, RCH), jnp.int32),
        pltpu.SemaphoreType.DMA,
    ],
)
def _deg_kernel(edges, iota, degs_out, hist_sh, hist_v, idx_v, iota_v, sem):
    c = lax.axis_index("c")
    s = lax.axis_index("s")
    hrows = pl.ds(s * HRT, HRT)
    ones = jnp.full((L,), 1.0, jnp.float32)
    zeros = jnp.zeros((L,), jnp.float32)
    lomask = jnp.full((L,), L - 1, jnp.int32)

    @pl.loop(0, NHR)
    def _(r):
        hist_v[r, :] = zeros

    pltpu.sync_copy(hist_v.at[hrows], hist_sh.at[hrows])

    pltpu.sync_copy(edges.at[c].at[2 * s], idx_v.at[pl.ds(0, NCH)])
    pltpu.sync_copy(edges.at[c].at[2 * s + 1], idx_v.at[pl.ds(NCH, NCH)])
    pltpu.sync_copy(iota, iota_v)

    @pl.loop(0, 2 * NCH)
    def _(j):
        for k in range(CH // L):
            idx = idx_v[j, pl.ds(k * L, L)]
            plsc.addupdate_scatter(hist_v, [idx >> 4, idx & lomask], ones)

    plsc.subcore_barrier()

    @pl.loop(0, NRC)
    def _(j):
        pltpu.async_copy(hist_v.at[pl.ds(j * RCH, RCH)],
                         hist_sh.at[iota_v.at[j]], sem, add=True)

    @pl.loop(0, NRC)
    def _(j):
        pltpu.make_async_copy(hist_v.at[pl.ds(0, RCH)],
                              hist_sh.at[iota_v.at[0]], sem).wait()

    plsc.subcore_barrier()

    pltpu.sync_copy(hist_sh.at[hrows], degs_out.at[c].at[hrows])



def _agg_phase(table_sh, agg_sh, edges, srcv, dstv, r0, r1,
               s0, s1, w, buf_v, rows):

    @pl.loop(0, RPT)
    def _(r):
        buf_v[r, :] = jnp.zeros((L,), jnp.float32)

    pltpu.sync_copy(buf_v, agg_sh.at[rows])

    pltpu.sync_copy(edges.at[0].at[w], srcv)
    pltpu.sync_copy(edges.at[1].at[w], dstv)
    plsc.subcore_barrier()

    pltpu.async_copy(table_sh.at[srcv.at[0]], r0, s0)

    @pl.loop(0, NCH // 2)
    def _(jj):
        j0 = 2 * jj
        pltpu.make_async_copy(table_sh.at[srcv.at[j0]], r0, s0).wait()
        pltpu.async_copy(table_sh.at[srcv.at[j0 + 1]], r1, s1)
        pltpu.sync_copy(r0, agg_sh.at[dstv.at[j0]], add=True)
        pltpu.make_async_copy(table_sh.at[srcv.at[j0 + 1]], r1, s1).wait()

        @pl.when(jj + 1 < NCH // 2)
        def _():
            pltpu.async_copy(table_sh.at[srcv.at[j0 + 2]], r0, s0)

        pltpu.sync_copy(r1, agg_sh.at[dstv.at[j0 + 1]], add=True)

    plsc.subcore_barrier()


_agg_scratch = [
    pltpu.VMEM_SHARED((NPAD, L), jnp.float32),
    pltpu.VMEM_SHARED((NPAD, L), jnp.float32),
    pltpu.VMEM((RPT, L), jnp.float32),
    pltpu.VMEM((NCH, CH), jnp.int32),
    pltpu.VMEM((NCH, CH), jnp.int32),
    pltpu.VMEM((CH, L), jnp.float32),
    pltpu.VMEM((CH, L), jnp.float32),
    pltpu.SemaphoreType.DMA,
    pltpu.SemaphoreType.DMA,
]


@functools.partial(
    pl.kernel,
    out_type=jax.ShapeDtypeStruct((NC, NPAD, L), jnp.float32),
    mesh=_mesh,
    compiler_params=_sc_params_nl,
    scratch_types=_agg_scratch + [pltpu.VMEM((RPT,), jnp.float32)],
)
def _layer1_kernel(xw, norms, edges, part_out, table_sh, agg_sh, buf_v,
                   srcv, dstv, r0, r1, s0, s1, ns_v):
    c = lax.axis_index("c")
    s = lax.axis_index("s")
    w = c * NS + s
    rows = pl.ds(s * RPT, RPT)
    pltpu.sync_copy(xw.at[rows], buf_v)
    pltpu.sync_copy(norms.at[0].at[rows], ns_v)

    @pl.loop(0, RPT)
    def _(r):
        ns = plsc.load_gather(ns_v, [jnp.full((L,), r, jnp.int32)])
        buf_v[r, :] = buf_v[r, :] * ns

    pltpu.sync_copy(buf_v, table_sh.at[rows])
    _agg_phase(table_sh, agg_sh, edges, srcv, dstv, r0, r1, s0, s1,
               w, buf_v, rows)
    pltpu.sync_copy(agg_sh.at[rows], buf_v)
    pltpu.sync_copy(buf_v, part_out.at[c].at[rows])


@functools.partial(
    pl.kernel,
    out_type=jax.ShapeDtypeStruct((NC, NPAD, L), jnp.float32),
    mesh=_mesh,
    compiler_params=_sc_params_nl,
    scratch_types=_agg_scratch + [
        pltpu.VMEM((RPT, L), jnp.float32),
        pltpu.VMEM((RPT,), jnp.float32),
        pltpu.VMEM((RPT,), jnp.float32),
        pltpu.VMEM((L,), jnp.float32),
    ],
)
def _layer2_kernel(p, norms, b1, edges, part_out,
                   table_sh, agg_sh, a_v, srcv, dstv, r0, r1, s0, s1,
                   b_v, nd_v, ns_v, b1_v):
    c = lax.axis_index("c")
    s = lax.axis_index("s")
    w = c * NS + s
    rows = pl.ds(s * RPT, RPT)

    pltpu.sync_copy(b1, b1_v)
    bias = b1_v[...]

    pltpu.sync_copy(p.at[0].at[rows], a_v)
    pltpu.sync_copy(p.at[1].at[rows], b_v)
    pltpu.sync_copy(norms.at[1].at[rows], nd_v)
    pltpu.sync_copy(norms.at[0].at[rows], ns_v)

    @pl.loop(0, RPT)
    def _(r):
        ridx = jnp.full((L,), r, jnp.int32)
        nd = plsc.load_gather(nd_v, [ridx])
        ns = plsc.load_gather(ns_v, [ridx])
        h = (a_v[r, :] + b_v[r, :]) * nd + bias
        a_v[r, :] = jnp.maximum(h, 0.0) * ns

    pltpu.sync_copy(a_v, table_sh.at[rows])

    _agg_phase(table_sh, agg_sh, edges, srcv, dstv, r0, r1, s0, s1,
               w, a_v, rows)

    pltpu.sync_copy(agg_sh.at[rows], a_v)

    @pl.loop(0, RPT)
    def _(r):
        nd = plsc.load_gather(nd_v, [jnp.full((L,), r, jnp.int32)])
        a_v[r, :] = a_v[r, :] * nd

    pltpu.sync_copy(a_v, part_out.at[c].at[rows])



_RB1 = 1024
_RB2 = 1000


def _mm1a_body(x_ref, w_ref, xw_ref):
    xw_ref[...] = jnp.dot(x_ref[...], w_ref[...],
                          preferred_element_type=jnp.float32)


def _mm1a(x_pad, W1):
    return pl.pallas_call(
        _mm1a_body,
        grid=(NPAD // _RB1,),
        in_specs=[
            pl.BlockSpec((_RB1, DIN), lambda i: (i, 0)),
            pl.BlockSpec((DIN, DH), lambda i: (0, 0)),
        ],
        out_specs=pl.BlockSpec((_RB1, DH), lambda i: (i, 0)),
        out_shape=jax.ShapeDtypeStruct((NPAD, DH), jnp.float32),
    )(x_pad, W1)


def _normk_body(d_ref, nrm_ref):
    nrm_ref[...] = jnp.where(d_ref[...] > 0.0, lax.rsqrt(d_ref[...]), 1.0)


def _normk(degs):
    return pl.pallas_call(
        _normk_body,
        grid=(NPAD // 2048,),
        in_specs=[pl.BlockSpec((2, 2048), lambda i: (0, i))],
        out_specs=pl.BlockSpec((2, 2048), lambda i: (0, i)),
        out_shape=jax.ShapeDtypeStruct((NC, NPAD), jnp.float32),
    )(degs)


def _mm2_body(a_ref, b_ref, w_ref, bias_ref, o_ref):
    h = a_ref[0] + b_ref[0]
    o_ref[...] = jnp.dot(h, w_ref[...],
                         preferred_element_type=jnp.float32) + bias_ref[...]


def _mm2(p2, W2, b2):
    return pl.pallas_call(
        _mm2_body,
        grid=(N // _RB2,),
        in_specs=[
            pl.BlockSpec((1, _RB2, DH), lambda i: (0, i, 0)),
            pl.BlockSpec((1, _RB2, DH), lambda i: (1, i, 0)),
            pl.BlockSpec((DH, DOUT), lambda i: (0, 0)),
            pl.BlockSpec((1, DOUT), lambda i: (0, 0)),
        ],
        out_specs=pl.BlockSpec((_RB2, DOUT), lambda i: (i, 0)),
        out_shape=jax.ShapeDtypeStruct((N, DOUT), jnp.float32),
    )(p2, p2, W2, b2.reshape(1, DOUT))



@jax.jit
def kernel(x, edge_index, W1, b1, W2, b2):
    pad = (jnp.arange(EPAD - E, dtype=jnp.int32) % (NPAD - N)) + N
    edges = jnp.concatenate(
        [edge_index, jnp.stack([pad, pad])], axis=1).reshape(2, NC * NS,
                                                            NCH, CH)
    x_pad = jnp.pad(x, ((0, NPAD - N), (0, 0)))
    iota = jnp.arange(NHR, dtype=jnp.int32).reshape(NRC, RCH)

    degs = _deg_kernel(edges, iota).reshape(NC, NPAD)
    xw = _mm1a(x_pad, W1)
    norms = _normk(degs)
    p1 = _layer1_kernel(xw, norms, edges)
    p2 = _layer2_kernel(p1, norms, b1, edges)
    return _mm2(p2, W2, b2)

# --- scband reference (transcript-rebuilt; emitter-appended) ---
"""Pipeline reference for scband-gcn-17506286699046 (READ-ONLY COPY).

The authoritative reference and input builder live on the scoring server;
editing this copy changes nothing except your own understanding.
"""

import jax, jax.numpy as jnp
import numpy as np

N_NODES = 10000
N_EDGES = 320000
D_IN = 128
D_HID = 16
D_OUT = 128


def setup_inputs(seed: int = 0) -> dict:
    key = jax.random.key(seed)
    k1, k2, k3, k4, k5, k6 = jax.random.split(key, 6)
    x = jax.random.normal(k1, (N_NODES, D_IN), dtype=jnp.float32)
    edge_index = jax.random.randint(k2, (2, N_EDGES), 0, N_NODES, dtype=jnp.int32)
    W1 = jax.random.normal(k3, (D_IN, D_HID), dtype=jnp.float32) * (1.0 / np.sqrt(D_IN))
    b1 = jnp.zeros((D_HID,), dtype=jnp.float32)
    W2 = jax.random.normal(k4, (D_HID, D_OUT), dtype=jnp.float32) * (1.0 / np.sqrt(D_HID))
    b2 = jnp.zeros((D_OUT,), dtype=jnp.float32)
    return {"x": x, "edge_index": edge_index, "W1": W1, "b1": b1, "W2": W2, "b2": b2}


def _graph_conv(h, edge_index, W, b):
    # DGL GraphConv with norm='both':
    # h' = D_in^{-1/2} A D_out^{-1/2} h W + b
    src = edge_index[0]
    dst = edge_index[1]
    ones = jnp.ones((edge_index.shape[1],), dtype=h.dtype)
    deg_out = jax.ops.segment_sum(ones, src, num_segments=N_NODES)
    deg_in = jax.ops.segment_sum(ones, dst, num_segments=N_NODES)
    norm_src = jnp.where(deg_out > 0, deg_out, 1.0) ** -0.5
    norm_dst = jnp.where(deg_in > 0, deg_in, 1.0) ** -0.5
    h = h * norm_src[:, None]
    h = h @ W  # apply weight before aggregation (mult_first, math-equivalent)
    msgs = h[src]  # gather
    agg = jax.ops.segment_sum(msgs, dst, num_segments=N_NODES)  # scatter-add
    return agg * norm_dst[:, None] + b


def reference(x, edge_index, W1, b1, W2, b2):
    h = _graph_conv(x, edge_index, W1, b1)
    h = jax.nn.relu(h)
    h = _graph_conv(h, edge_index, W2, b2)
    return h

if __name__ == "__main__":
    import jax
    _d = setup_inputs()
    print(jax.jit(kernel)(*tuple(_d.values())))

</pallas_src>

<mosaic_0001>
#map = affine_map<(d0, d1) -> (0, 0, 0, 0)>
#map1 = affine_map<(d0, d1) -> (0, 0)>
#map2 = affine_map<(d0, d1) -> (0, 0, 0)>
module attributes {stable_mosaic.version = 14 : i64} {
  func.func @_deg_kernel(%arg0: i32, %arg1: i32, %arg2: memref<2x32x80x128xi32, #tpu.memory_space<hbm>>, %arg3: memref<5x128xi32, #tpu.memory_space<hbm>>, %arg4: memref<2x640x16xf32, #tpu.memory_space<hbm>>, %arg5: memref<640x16xf32, #tpu.memory_space<vmem_shared>>, %arg6: memref<640x16xf32, #tpu.memory_space<vmem>>, %arg7: memref<160x128xi32, #tpu.memory_space<vmem>>, %arg8: memref<5x128xi32, #tpu.memory_space<vmem>>, %arg9: memref<!tpu.dma_semaphore, #tpu.memory_space<semaphore_mem>>) attributes {dimension_semantics = [#tpu.dimension_semantics<core_parallel>, #tpu.dimension_semantics<subcore_parallel>], iteration_bounds = array<i64: 2, 16>, scalar_prefetch = 0 : i64, scratch_operands = 5 : i64, tpu.core_type = #tpu.core_type<sc_vector_subcore>, window_params = [{transform_indices = #map}, {transform_indices = #map1}, {transform_indices = #map2}]} {
    %mul3A = arith.constant 40 : i32
    %mul3A_0 = arith.muli %arg1, %mul3A : i32
    %broadcast_in_dim3A = arith.constant 1.000000e+00 : f32
    %broadcast_in_dim3A_1 = vector.broadcast %broadcast_in_dim3A : f32 to vector<16xf32>
    %broadcast_in_dim3A_2 = arith.constant 0.000000e+00 : f32
    %broadcast_in_dim3A_3 = vector.broadcast %broadcast_in_dim3A_2 : f32 to vector<16xf32>
    %broadcast_in_dim3A_4 = arith.constant 15 : i32
    %broadcast_in_dim3A_5 = vector.broadcast %broadcast_in_dim3A_4 : i32 to vector<16xi32>
    %scan3A = arith.constant 0 : i32
    %scan3A_6 = arith.constant 640 : i32
    %scan3A_7 = arith.addi %scan3A, %scan3A_6 : i32
    %scan3A_8 = arith.constant 1 : i32
    scf.for %scan3A_31 = %scan3A to %scan3A_7 step %scan3A_8  : i32 {
      %mul3A_32 = arith.constant 1 : i32
      %mul3A_33 = arith.muli %scan3A_31, %mul3A_32 : i32
      %add3A_34 = arith.constant 0 : i32
      %add3A_35 = arith.addi %add3A_34, %mul3A_33 : i32
      %swap3A = arith.index_cast %add3A_35 : i32 to index
      %swap3A_36 = arith.constant 0 : index
      %swap3A_37 = tpu.vector_load %arg6[%swap3A, %swap3A_36] {strides = array<i32>} : memref<640x16xf32, #tpu.memory_space<vmem>>, vector<16xf32>,
      tpu.vector_store %arg6[%swap3A, %swap3A_36], %broadcast_in_dim3A_3 {strides = array<i32>} : memref<640x16xf32, #tpu.memory_space<vmem>>, vector<16xf32>,
    }
    %scan3A_9 = arith.constant 640 : i32
    "tpu.region"() ({
      %run_scoped3A = tpu.sem_alloc : memref<!tpu.dma_semaphore, #tpu.memory_space<semaphore_mem>>
      %dma_start3A = arith.constant 0 : i32
      %dma_start3A_31 = tpu.memref_slice %arg6[%mul3A_0, %dma_start3A] : memref<640x16xf32, #tpu.memory_space<vmem>> -> memref<40x16xf32, #tpu.memory_space<vmem>>
      %dma_start3A_32 = arith.constant 0 : i32
      %dma_start3A_33 = tpu.memref_slice %arg5[%mul3A_0, %dma_start3A_32] : memref<640x16xf32, #tpu.memory_space<vmem_shared>> -> memref<40x16xf32, #tpu.memory_space<vmem_shared>>
      %dma_start3A_34 = arith.constant 0 : i32
      %dma_start3A_35 = tpu.memref_slice %arg5[%mul3A_0, %dma_start3A_34] : memref<640x16xf32, #tpu.memory_space<vmem_shared>> -> memref<40x16xf32, #tpu.memory_space<vmem_shared>>
      %dma_start3A_36 = arith.constant 0 : i32
      %dma_start3A_37 = tpu.memref_slice %arg6[%mul3A_0, %dma_start3A_36] : memref<640x16xf32, #tpu.memory_space<vmem>> -> memref<40x16xf32, #tpu.memory_space<vmem>>
      tpu.enqueue_dma source(%dma_start3A_37 : memref<40x16xf32, #tpu.memory_space<vmem>>) target(%dma_start3A_35 : memref<40x16xf32, #tpu.memory_space<vmem_shared>>) target_semaphore(%run_scoped3A : memref<!tpu.dma_semaphore, #tpu.memory_space<semaphore_mem>>)
      %dma_wait3A = arith.constant 0 : i32
      %dma_wait3A_38 = tpu.memref_slice %arg6[%mul3A_0, %dma_wait3A] : memref<640x16xf32, #tpu.memory_space<vmem>> -> memref<40x16xf32, #tpu.memory_space<vmem>>
      %dma_wait3A_39 = arith.constant 0 : i32
      %dma_wait3A_40 = tpu.memref_slice %arg5[%mul3A_0, %dma_wait3A_39] : memref<640x16xf32, #tpu.memory_space<vmem_shared>> -> memref<40x16xf32, #tpu.memory_space<vmem_shared>>
      %dma_wait3A_41 = arith.constant 0 : i32
      %dma_wait3A_42 = tpu.memref_slice %arg5[%mul3A_0, %dma_wait3A_41] : memref<640x16xf32, #tpu.memory_space<vmem_shared>> -> memref<40x16xf32, #tpu.memory_space<vmem_shared>>
      %dma_wait3A_43 = arith.constant 0 : i32
      %dma_wait3A_44 = tpu.memref_slice %arg6[%mul3A_0, %dma_wait3A_43] : memref<640x16xf32, #tpu.memory_space<vmem>> -> memref<40x16xf32, #tpu.memory_space<vmem>>
      tpu.wait_dma2 semaphore(%run_scoped3A : memref<!tpu.dma_semaphore, #tpu.memory_space<semaphore_mem>>) src(%dma_wait3A_44 : memref<40x16xf32, #tpu.memory_space<vmem>>) dst(%dma_wait3A_42 : memref<40x16xf32, #tpu.memory_space<vmem_shared>>)
      tpu.yield
    }) : () -> ()
    %mul3A_10 = arith.constant 2 : i32
    %mul3A_11 = arith.muli %mul3A_10, %arg1 : i32
    "tpu.region"() ({
      %run_scoped3A = tpu.sem_alloc : memref<!tpu.dma_semaphore, #tpu.memory_space<semaphore_mem>>
      %dma_start3A = arith.constant 0 : i32
      %dma_start3A_31 = arith.constant 0 : i32
      %dma_start3A_32 = tpu.memref_slice %arg7[%dma_start3A, %dma_start3A_31] : memref<160x128xi32, #tpu.memory_space<vmem>> -> memref<80x128xi32, #tpu.memory_space<vmem>>
      %dma_start3A_33 = arith.constant 0 : i32
      %dma_start3A_34 = arith.constant 0 : i32
      %dma_start3A_35 = arith.constant 0 : i32
      %dma_start3A_36 = tpu.memref_slice %arg2[%arg0, %dma_start3A_33, %dma_start3A_34, %dma_start3A_35] : memref<2x32x80x128xi32, #tpu.memory_space<hbm>> -> memref<1x32x80x128xi32, #tpu.memory_space<hbm>>
      %dma_start3A_37 = tpu.memref_squeeze %dma_start3A_36 : memref<1x32x80x128xi32, #tpu.memory_space<hbm>> -> memref<32x80x128xi32, #tpu.memory_space<hbm>>
      %dma_start3A_38 = arith.constant 0 : i32
      %dma_start3A_39 = arith.constant 0 : i32
      %dma_start3A_40 = tpu.memref_slice %dma_start3A_37[%mul3A_11, %dma_start3A_38, %dma_start3A_39] : memref<32x80x128xi32, #tpu.memory_space<hbm>> -> memref<1x80x128xi32, #tpu.memory_space<hbm>>
      %dma_start3A_41 = tpu.memref_squeeze %dma_start3A_40 : memref<1x80x128xi32, #tpu.memory_space<hbm>> -> memref<80x128xi32, #tpu.memory_space<hbm>>
      %dma_start3A_42 = arith.constant 0 : i32
      %dma_start3A_43 = arith.constant 0 : i32
      %dma_start3A_44 = tpu.memref_slice %arg7[%dma_start3A_42, %dma_start3A_43] : memref<160x128xi32, #tpu.memory_space<vmem>> -> memref<80x128xi32, #tpu.memory_space<vmem>>
      %dma_start3A_45 = arith.constant 0 : i32
      %dma_start3A_46 = arith.constant 0 : i32
      %dma_start3A_47 = arith.constant 0 : i32
      %dma_start3A_48 = tpu.memref_slice %arg2[%arg0, %dma_start3A_45, %dma_start3A_46, %dma_start3A_47] : memref<2x32x80x128xi32, #tpu.memory_space<hbm>> -> memref<1x32x80x128xi32, #tpu.memory_space<hbm>>
      %dma_start3A_49 = tpu.memref_squeeze %dma_start3A_48 : memref<1x32x80x128xi32, #tpu.memory_space<hbm>> -> memref<32x80x128xi32, #tpu.memory_space<hbm>>
      %dma_start3A_50 = arith.constant 0 : i32
      %dma_start3A_51 = arith.constant 0 : i32
      %dma_start3A_52 = tpu.memref_slice %dma_start3A_49[%mul3A_11, %dma_start3A_50, %dma_start3A_51] : memref<32x80x128xi32, #tpu.memory_space<hbm>> -> memref<1x80x128xi32, #tpu.memory_space<hbm>>
      %dma_start3A_53 = tpu.memref_squeeze %dma_start3A_52 : memref<1x80x128xi32, #tpu.memory_space<hbm>> -> memref<80x128xi32, #tpu.memory_space<hbm>>
      tpu.enqueue_dma source(%dma_start3A_53 : memref<80x128xi32, #tpu.memory_space<hbm>>) target(%dma_start3A_44 : memref<80x128xi32, #tpu.memory_space<vmem>>) target_semaphore(%run_scoped3A : memref<!tpu.dma_semaphore, #tpu.memory_space<semaphore_mem>>)
      %dma_wait3A = arith.constant 0 : i32
      %dma_wait3A_54 = arith.constant 0 : i32
      %dma_wait3A_55 = tpu.memref_slice %arg7[%dma_wait3A, %dma_wait3A_54] : memref<160x128xi32, #tpu.memory_space<vmem>> -> memref<80x128xi32, #tpu.memory_space<vmem>>
      %dma_wait3A_56 = arith.constant 0 : i32
      %dma_wait3A_57 = arith.constant 0 : i32
      %dma_wait3A_58 = arith.constant 0 : i32
      %dma_wait3A_59 = tpu.memref_slice %arg2[%arg0, %dma_wait3A_56, %dma_wait3A_57, %dma_wait3A_58] : memref<2x32x80x128xi32, #tpu.memory_space<hbm>> -> memref<1x32x80x128xi32, #tpu.memory_space<hbm>>
      %dma_wait3A_60 = tpu.memref_squeeze %dma_wait3A_59 : memref<1x32x80x128xi32, #tpu.memory_space<hbm>> -> memref<32x80x128xi32, #tpu.memory_space<hbm>>
      %dma_wait3A_61 = arith.constant 0 : i32
      %dma_wait3A_62 = arith.constant 0 : i32
      %dma_wait3A_63 = tpu.memref_slice %dma_wait3A_60[%mul3A_11, %dma_wait3A_61, %dma_wait3A_62] : memref<32x80x128xi32, #tpu.memory_space<hbm>> -> memref<1x80x128xi32, #tpu.memory_space<hbm>>
      %dma_wait3A_64 = tpu.memref_squeeze %dma_wait3A_63 : memref<1x80x128xi32, #tpu.memory_space<hbm>> -> memref<80x128xi32, #tpu.memory_space<hbm>>
      %dma_wait3A_65 = arith.constant 0 : i32
      %dma_wait3A_66 = arith.constant 0 : i32
      %dma_wait3A_67 = tpu.memref_slice %arg7[%dma_wait3A_65, %dma_wait3A_66] : memref<160x128xi32, #tpu.memory_space<vmem>> -> memref<80x128xi32, #tpu.memory_space<vmem>>
      %dma_wait3A_68 = arith.constant 0 : i32
      %dma_wait3A_69 = arith.constant 0 : i32
      %dma_wait3A_70 = arith.constant 0 : i32
      %dma_wait3A_71 = tpu.memref_slice %arg2[%arg0, %dma_wait3A_68, %dma_wait3A_69, %dma_wait3A_70] : memref<2x32x80x128xi32, #tpu.memory_space<hbm>> -> memref<1x32x80x128xi32, #tpu.memory_space<hbm>>
      %dma_wait3A_72 = tpu.memref_squeeze %dma_wait3A_71 : memref<1x32x80x128xi32, #tpu.memory_space<hbm>> -> memref<32x80x128xi32, #tpu.memory_space<hbm>>
      %dma_wait3A_73 = arith.constant 0 : i32
      %dma_wait3A_74 = arith.constant 0 : i32
      %dma_wait3A_75 = tpu.memref_slice %dma_wait3A_72[%mul3A_11, %dma_wait3A_73, %dma_wait3A_74] : memref<32x80x128xi32, #tpu.memory_space<hbm>> -> memref<1x80x128xi32, #tpu.memory_space<hbm>>
      %dma_wait3A_76 = tpu.memref_squeeze %dma_wait3A_75 : memref<1x80x128xi32, #tpu.memory_space<hbm>> -> memref<80x128xi32, #tpu.memory_space<hbm>>
      tpu.wait_dma2 semaphore(%run_scoped3A : memref<!tpu.dma_semaphore, #tpu.memory_space<semaphore_mem>>) src(%dma_wait3A_76 : memref<80x128xi32, #tpu.memory_space<hbm>>) dst(%dma_wait3A_67 : memref<80x128xi32, #tpu.memory_space<vmem>>)
      tpu.yield
    }) : () -> ()
    %mul3A_12 = arith.constant 2 : i32
    %mul3A_13 = arith.muli %mul3A_12, %arg1 : i32
    %add3A = arith.constant 1 : i32
    %add3A_14 = arith.addi %mul3A_13, %add3A : i32
    "tpu.region"() ({
      %run_scoped3A = tpu.sem_alloc : memref<!tpu.dma_semaphore, #tpu.memory_space<semaphore_mem>>
      %dma_start3A = arith.constant 80 : i32
      %dma_start3A_31 = arith.constant 0 : i32
      %dma_start3A_32 = tpu.memref_slice %arg7[%dma_start3A, %dma_start3A_31] : memref<160x128xi32, #tpu.memory_space<vmem>> -> memref<80x128xi32, #tpu.memory_space<vmem>>
      %dma_start3A_33 = arith.constant 0 : i32
      %dma_start3A_34 = arith.constant 0 : i32
      %dma_start3A_35 = arith.constant 0 : i32
      %dma_start3A_36 = tpu.memref_slice %arg2[%arg0, %dma_start3A_33, %dma_start3A_34, %dma_start3A_35] : memref<2x32x80x128xi32, #tpu.memory_space<hbm>> -> memref<1x32x80x128xi32, #tpu.memory_space<hbm>>
      %dma_start3A_37 = tpu.memref_squeeze %dma_start3A_36 : memref<1x32x80x128xi32, #tpu.memory_space<hbm>> -> memref<32x80x128xi32, #tpu.memory_space<hbm>>
      %dma_start3A_38 = arith.constant 0 : i32
      %dma_start3A_39 = arith.constant 0 : i32
      %dma_start3A_40 = tpu.memref_slice %dma_start3A_37[%add3A_14, %dma_start3A_38, %dma_start3A_39] : memref<32x80x128xi32, #tpu.memory_space<hbm>> -> memref<1x80x128xi32, #tpu.memory_space<hbm>>
      %dma_start3A_41 = tpu.memref_squeeze %dma_start3A_40 : memref<1x80x128xi32, #tpu.memory_space<hbm>> -> memref<80x128xi32, #tpu.memory_space<hbm>>
      %dma_start3A_42 = arith.constant 80 : i32
      %dma_start3A_43 = arith.constant 0 : i32
      %dma_start3A_44 = tpu.memref_slice %arg7[%dma_start3A_42, %dma_start3A_43] : memref<160x128xi32, #tpu.memory_space<vmem>> -> memref<80x128xi32, #tpu.memory_space<vmem>>
      %dma_start3A_45 = arith.constant 0 : i32
      %dma_start3A_46 = arith.constant 0 : i32
      %dma_start3A_47 = arith.constant 0 : i32
      %dma_start3A_48 = tpu.memref_slice %arg2[%arg0, %dma_start3A_45, %dma_start3A_46, %dma_start3A_47] : memref<2x32x80x128xi32, #tpu.memory_space<hbm>> -> memref<1x32x80x128xi32, #tpu.memory_space<hbm>>
      %dma_start3A_49 = tpu.memref_squeeze %dma_start3A_48 : memref<1x32x80x128xi32, #tpu.memory_space<hbm>> -> memref<32x80x128xi32, #tpu.memory_space<hbm>>
      %dma_start3A_50 = arith.constant 0 : i32
      %dma_start3A_51 = arith.constant 0 : i32
      %dma_start3A_52 = tpu.memref_slice %dma_start3A_49[%add3A_14, %dma_start3A_50, %dma_start3A_51] : memref<32x80x128xi32, #tpu.memory_space<hbm>> -> memref<1x80x128xi32, #tpu.memory_space<hbm>>
      %dma_start3A_53 = tpu.memref_squeeze %dma_start3A_52 : memref<1x80x128xi32, #tpu.memory_space<hbm>> -> memref<80x128xi32, #tpu.memory_space<hbm>>
      tpu.enqueue_dma source(%dma_start3A_53 : memref<80x128xi32, #tpu.memory_space<hbm>>) target(%dma_start3A_44 : memref<80x128xi32, #tpu.memory_space<vmem>>) target_semaphore(%run_scoped3A : memref<!tpu.dma_semaphore, #tpu.memory_space<semaphore_mem>>)
      %dma_wait3A = arith.constant 80 : i32
      %dma_wait3A_54 = arith.constant 0 : i32
      %dma_wait3A_55 = tpu.memref_slice %arg7[%dma_wait3A, %dma_wait3A_54] : memref<160x128xi32, #tpu.memory_space<vmem>> -> memref<80x128xi32, #tpu.memory_space<vmem>>
      %dma_wait3A_56 = arith.constant 0 : i32
      %dma_wait3A_57 = arith.constant 0 : i32
      %dma_wait3A_58 = arith.constant 0 : i32
      %dma_wait3A_59 = tpu.memref_slice %arg2[%arg0, %dma_wait3A_56, %dma_wait3A_57, %dma_wait3A_58] : memref<2x32x80x128xi32, #tpu.memory_space<hbm>> -> memref<1x32x80x128xi32, #tpu.memory_space<hbm>>
      %dma_wait3A_60 = tpu.memref_squeeze %dma_wait3A_59 : memref<1x32x80x128xi32, #tpu.memory_space<hbm>> -> memref<32x80x128xi32, #tpu.memory_space<hbm>>
      %dma_wait3A_61 = arith.constant 0 : i32
      %dma_wait3A_62 = arith.constant 0 : i32
      %dma_wait3A_63 = tpu.memref_slice %dma_wait3A_60[%add3A_14, %dma_wait3A_61, %dma_wait3A_62] : memref<32x80x128xi32, #tpu.memory_space<hbm>> -> memref<1x80x128xi32, #tpu.memory_space<hbm>>
      %dma_wait3A_64 = tpu.memref_squeeze %dma_wait3A_63 : memref<1x80x128xi32, #tpu.memory_space<hbm>> -> memref<80x128xi32, #tpu.memory_space<hbm>>
      %dma_wait3A_65 = arith.constant 80 : i32
      %dma_wait3A_66 = arith.constant 0 : i32
      %dma_wait3A_67 = tpu.memref_slice %arg7[%dma_wait3A_65, %dma_wait3A_66] : memref<160x128xi32, #tpu.memory_space<vmem>> -> memref<80x128xi32, #tpu.memory_space<vmem>>
      %dma_wait3A_68 = arith.constant 0 : i32
      %dma_wait3A_69 = arith.constant 0 : i32
      %dma_wait3A_70 = arith.constant 0 : i32
      %dma_wait3A_71 = tpu.memref_slice %arg2[%arg0, %dma_wait3A_68, %dma_wait3A_69, %dma_wait3A_70] : memref<2x32x80x128xi32, #tpu.memory_space<hbm>> -> memref<1x32x80x128xi32, #tpu.memory_space<hbm>>
      %dma_wait3A_72 = tpu.memref_squeeze %dma_wait3A_71 : memref<1x32x80x128xi32, #tpu.memory_space<hbm>> -> memref<32x80x128xi32, #tpu.memory_space<hbm>>
      %dma_wait3A_73 = arith.constant 0 : i32
      %dma_wait3A_74 = arith.constant 0 : i32
      %dma_wait3A_75 = tpu.memref_slice %dma_wait3A_72[%add3A_14, %dma_wait3A_73, %dma_wait3A_74] : memref<32x80x128xi32, #tpu.memory_space<hbm>> -> memref<1x80x128xi32, #tpu.memory_space<hbm>>
      %dma_wait3A_76 = tpu.memref_squeeze %dma_wait3A_75 : memref<1x80x128xi32, #tpu.memory_space<hbm>> -> memref<80x128xi32, #tpu.memory_space<hbm>>
      tpu.wait_dma2 semaphore(%run_scoped3A : memref<!tpu.dma_semaphore, #tpu.memory_space<semaphore_mem>>) src(%dma_wait3A_76 : memref<80x128xi32, #tpu.memory_space<hbm>>) dst(%dma_wait3A_67 : memref<80x128xi32, #tpu.memory_space<vmem>>)
      tpu.yield
    }) : () -> ()
    "tpu.region"() ({
      %run_scoped3A = tpu.sem_alloc : memref<!tpu.dma_semaphore, #tpu.memory_space<semaphore_mem>>
      tpu.enqueue_dma source(%arg3 : memref<5x128xi32, #tpu.memory_space<hbm>>) target(%arg8 : memref<5x128xi32, #tpu.memory_space<vmem>>) target_semaphore(%run_scoped3A : memref<!tpu.dma_semaphore, #tpu.memory_space<semaphore_mem>>)
      tpu.wait_dma2 semaphore(%run_scoped3A : memref<!tpu.dma_semaphore, #tpu.memory_space<semaphore_mem>>) src(%arg3 : memref<5x128xi32, #tpu.memory_space<hbm>>) dst(%arg8 : memref<5x128xi32, #tpu.memory_space<vmem>>)
      tpu.yield
    }) : () -> ()
    %scan3A_15 = arith.constant 0 : i32
    %scan3A_16 = arith.constant 160 : i32
    %scan3A_17 = arith.addi %scan3A_15, %scan3A_16 : i32
    %scan3A_18 = arith.constant 1 : i32
    scf.for %scan3A_31 = %scan3A_15 to %scan3A_17 step %scan3A_18  : i32 {
      %mul3A_32 = arith.constant 1 : i32
      %mul3A_33 = arith.muli %scan3A_31, %mul3A_32 : i32
      %add3A_34 = arith.constant 0 : i32
      %add3A_35 = arith.addi %add3A_34, %mul3A_33 : i32
      %get3A = arith.index_cast %add3A_35 : i32 to index
      %get3A_36 = arith.constant 0 : index
      %get3A_37 = tpu.vector_load %arg7[%get3A, %get3A_36] {strides = array<i32>} : memref<160x128xi32, #tpu.memory_space<vmem>>, vector<16xi32>,
      %shift_right_arithmetic3A = arith.constant 4 : i32
      %shift_right_arithmetic3A_38 = vector.broadcast %shift_right_arithmetic3A : i32 to vector<16xi32>
      %shift_right_arithmetic3A_39 = arith.shrsi %get3A_37, %shift_right_arithmetic3A_38 : vector<16xi32>
      %and3A = arith.andi %get3A_37, %broadcast_in_dim3A_5 : vector<16xi32>
      tpu.vector_store_idx %arg6[%shift_right_arithmetic3A_39, %and3A], %broadcast_in_dim3A_1 {add = true} : memref<640x16xf32, #tpu.memory_space<vmem>>[vector<16xi32>, vector<16xi32>], vector<16xf32>,
      %get3A_40 = arith.index_cast %add3A_35 : i32 to index
      %get3A_41 = arith.constant 16 : index
      %get3A_42 = tpu.vector_load %arg7[%get3A_40, %get3A_41] {strides = array<i32>} : memref<160x128xi32, #tpu.memory_space<vmem>>, vector<16xi32>,
      %shift_right_arithmetic3A_43 = arith.constant 4 : i32
      %shift_right_arithmetic3A_44 = vector.broadcast %shift_right_arithmetic3A_43 : i32 to vector<16xi32>
      %shift_right_arithmetic3A_45 = arith.shrsi %get3A_42, %shift_right_arithmetic3A_44 : vector<16xi32>
      %and3A_46 = arith.andi %get3A_42, %broadcast_in_dim3A_5 : vector<16xi32>
      tpu.vector_store_idx %arg6[%shift_right_arithmetic3A_45, %and3A_46], %broadcast_in_dim3A_1 {add = true} : memref<640x16xf32, #tpu.memory_space<vmem>>[vector<16xi32>, vector<16xi32>], vector<16xf32>,
      %get3A_47 = arith.index_cast %add3A_35 : i32 to index
      %get3A_48 = arith.constant 32 : index
      %get3A_49 = tpu.vector_load %arg7[%get3A_47, %get3A_48] {strides = array<i32>} : memref<160x128xi32, #tpu.memory_space<vmem>>, vector<16xi32>,
      %shift_right_arithmetic3A_50 = arith.constant 4 : i32
      %shift_right_arithmetic3A_51 = vector.broadcast %shift_right_arithmetic3A_50 : i32 to vector<16xi32>
      %shift_right_arithmetic3A_52 = arith.shrsi %get3A_49, %shift_right_arithmetic3A_51 : vector<16xi32>
      %and3A_53 = arith.andi %get3A_49, %broadcast_in_dim3A_5 : vector<16xi32>
      tpu.vector_store_idx %arg6[%shift_right_arithmetic3A_52, %and3A_53], %broadcast_in_dim3A_1 {add = true} : memref<640x16xf32, #tpu.memory_space<vmem>>[vector<16xi32>, vector<16xi32>], vector<16xf32>,
      %get3A_54 = arith.index_cast %add3A_35 : i32 to index
      %get3A_55 = arith.constant 48 : index
      %get3A_56 = tpu.vector_load %arg7[%get3A_54, %get3A_55] {strides = array<i32>} : memref<160x128xi32, #tpu.memory_space<vmem>>, vector<16xi32>,
      %shift_right_arithmetic3A_57 = arith.constant 4 : i32
      %shift_right_arithmetic3A_58 = vector.broadcast %shift_right_arithmetic3A_57 : i32 to vector<16xi32>
      %shift_right_arithmetic3A_59 = arith.shrsi %get3A_56, %shift_right_arithmetic3A_58 : vector<16xi32>
      %and3A_60 = arith.andi %get3A_56, %broadcast_in_dim3A_5 : vector<16xi32>
      tpu.vector_store_idx %arg6[%shift_right_arithmetic3A_59, %and3A_60], %broadcast_in_dim3A_1 {add = true} : memref<640x16xf32, #tpu.memory_space<vmem>>[vector<16xi32>, vector<16xi32>], vector<16xf32>,
      %get3A_61 = arith.index_cast %add3A_35 : i32 to index
      %get3A_62 = arith.constant 64 : index
      %get3A_63 = tpu.vector_load %arg7[%get3A_61, %get3A_62] {strides = array<i32>} : memref<160x128xi32, #tpu.memory_space<vmem>>, vector<16xi32>,
      %shift_right_arithmetic3A_64 = arith.constant 4 : i32
      %shift_right_arithmetic3A_65 = vector.broadcast %shift_right_arithmetic3A_64 : i32 to vector<16xi32>
      %shift_right_arithmetic3A_66 = arith.shrsi %get3A_63, %shift_right_arithmetic3A_65 : vector<16xi32>
      %and3A_67 = arith.andi %get3A_63, %broadcast_in_dim3A_5 : vector<16xi32>
      tpu.vector_store_idx %arg6[%shift_right_arithmetic3A_66, %and3A_67], %broadcast_in_dim3A_1 {add = true} : memref<640x16xf32, #tpu.memory_space<vmem>>[vector<16xi32>, vector<16xi32>], vector<16xf32>,
      %get3A_68 = arith.index_cast %add3A_35 : i32 to index
      %get3A_69 = arith.constant 80 : index
      %get3A_70 = tpu.vector_load %arg7[%get3A_68, %get3A_69] {strides = array<i32>} : memref<160x128xi32, #tpu.memory_space<vmem>>, vector<16xi32>,
      %shift_right_arithmetic3A_71 = arith.constant 4 : i32
      %shift_right_arithmetic3A_72 = vector.broadcast %shift_right_arithmetic3A_71 : i32 to vector<16xi32>
      %shift_right_arithmetic3A_73 = arith.shrsi %get3A_70, %shift_right_arithmetic3A_72 : vector<16xi32>
      %and3A_74 = arith.andi %get3A_70, %broadcast_in_dim3A_5 : vector<16xi32>
      tpu.vector_store_idx %arg6[%shift_right_arithmetic3A_73, %and3A_74], %broadcast_in_dim3A_1 {add = true} : memref<640x16xf32, #tpu.memory_space<vmem>>[vector<16xi32>, vector<16xi32>], vector<16xf32>,
      %get3A_75 = arith.index_cast %add3A_35 : i32 to index
      %get3A_76 = arith.constant 96 : index
      %get3A_77 = tpu.vector_load %arg7[%get3A_75, %get3A_76] {strides = array<i32>} : memref<160x128xi32, #tpu.memory_space<vmem>>, vector<16xi32>,
      %shift_right_arithmetic3A_78 = arith.constant 4 : i32
      %shift_right_arithmetic3A_79 = vector.broadcast %shift_right_arithmetic3A_78 : i32 to vector<16xi32>
      %shift_right_arithmetic3A_80 = arith.shrsi %get3A_77, %shift_right_arithmetic3A_79 : vector<16xi32>
      %and3A_81 = arith.andi %get3A_77, %broadcast_in_dim3A_5 : vector<16xi32>
      tpu.vector_store_idx %arg6[%shift_right_arithmetic3A_80, %and3A_81], %broadcast_in_dim3A_1 {add = true} : memref<640x16xf32, #tpu.memory_space<vmem>>[vector<16xi32>, vector<16xi32>], vector<16xf32>,
      %get3A_82 = arith.index_cast %add3A_35 : i32 to index
      %get3A_83 = arith.constant 112 : index
      %get3A_84 = tpu.vector_load %arg7[%get3A_82, %get3A_83] {strides = array<i32>} : memref<160x128xi32, #tpu.memory_space<vmem>>, vector<16xi32>,
      %shift_right_arithmetic3A_85 = arith.constant 4 : i32
      %shift_right_arithmetic3A_86 = vector.broadcast %shift_right_arithmetic3A_85 : i32 to vector<16xi32>
      %shift_right_arithmetic3A_87 = arith.shrsi %get3A_84, %shift_right_arithmetic3A_86 : vector<16xi32>
      %and3A_88 = arith.andi %get3A_84, %broadcast_in_dim3A_5 : vector<16xi32>
      tpu.vector_store_idx %arg6[%shift_right_arithmetic3A_87, %and3A_88], %broadcast_in_dim3A_1 {add = true} : memref<640x16xf32, #tpu.memory_space<vmem>>[vector<16xi32>, vector<16xi32>], vector<16xf32>,
    }
    %scan3A_19 = arith.constant 160 : i32
    %barrier3A = arith.constant 0 : index
    tpu.barrier barrier_id(%barrier3A)
    %scan3A_20 = arith.constant 0 : i32
    %scan3A_21 = arith.constant 5 : i32
    %scan3A_22 = arith.addi %scan3A_20, %scan3A_21 : i32
    %scan3A_23 = arith.constant 1 : i32
    scf.for %scan3A_31 = %scan3A_20 to %scan3A_22 step %scan3A_23  : i32 {
      %mul3A_32 = arith.constant 1 : i32
      %mul3A_33 = arith.muli %scan3A_31, %mul3A_32 : i32
      %add3A_34 = arith.constant 0 : i32
      %add3A_35 = arith.addi %add3A_34, %mul3A_33 : i32
      %mul3A_36 = arith.constant 128 : i32
      %mul3A_37 = arith.muli %add3A_35, %mul3A_36 : i32
      %dma_start3A = arith.constant 0 : i32
      %dma_start3A_38 = tpu.memref_slice %arg6[%mul3A_37, %dma_start3A] : memref<640x16xf32, #tpu.memory_space<vmem>> -> memref<128x16xf32, #tpu.memory_space<vmem>>
      %dma_start3A_39 = arith.constant 0 : i32
      %dma_start3A_40 = tpu.memref_slice %arg8[%add3A_35, %dma_start3A_39] : memref<5x128xi32, #tpu.memory_space<vmem>> -> memref<1x128xi32, #tpu.memory_space<vmem>>
      %dma_start3A_41 = tpu.memref_squeeze %dma_start3A_40 : memref<1x128xi32, #tpu.memory_space<vmem>> -> memref<128xi32, #tpu.memory_space<vmem>>
      %dma_start3A_42 = arith.constant 0 : i32
      %dma_start3A_43 = arith.constant 0 : i32
      %dma_start3A_44 = tpu.memref_slice %arg5[%dma_start3A_42, %dma_start3A_43] : memref<640x16xf32, #tpu.memory_space<vmem_shared>> -> memref<640x16xf32, #tpu.memory_space<vmem_shared>>
      tpu.enqueue_indirect_dma source(%dma_start3A_38 : memref<128x16xf32, #tpu.memory_space<vmem>>) target(%dma_start3A_44 : memref<640x16xf32, #tpu.memory_space<vmem_shared>>) offsets(%dma_start3A_41 : memref<128xi32, #tpu.memory_space<vmem>>) semaphore(%arg9 : memref<!tpu.dma_semaphore, #tpu.memory_space<semaphore_mem>>) {add = true}
    }
    %scan3A_24 = arith.constant 5 : i32
    %scan3A_25 = arith.constant 0 : i32
    %scan3A_26 = arith.constant 5 : i32
    %scan3A_27 = arith.addi %scan3A_25, %scan3A_26 : i32
    %scan3A_28 = arith.constant 1 : i32
    scf.for %scan3A_31 = %scan3A_25 to %scan3A_27 step %scan3A_28  : i32 {
      %mul3A_32 = arith.constant 1 : i32
      %mul3A_33 = arith.muli %scan3A_31, %mul3A_32 : i32
      %add3A_34 = arith.constant 0 : i32
      %add3A_35 = arith.addi %add3A_34, %mul3A_33 : i32
      %dma_wait3A = arith.constant 0 : i32
      %dma_wait3A_36 = arith.constant 0 : i32
      %dma_wait3A_37 = arith.constant 0 : i32
      %dma_wait3A_38 = tpu.memref_slice %arg6[%dma_wait3A_36, %dma_wait3A_37] : memref<640x16xf32, #tpu.memory_space<vmem>> -> memref<128x16xf32, #tpu.memory_space<vmem>>
      %dma_wait3A_39 = arith.constant 0 : i32
      %dma_wait3A_40 = tpu.memref_slice %arg8[%dma_wait3A, %dma_wait3A_39] : memref<5x128xi32, #tpu.memory_space<vmem>> -> memref<1x128xi32, #tpu.memory_space<vmem>>
      %dma_wait3A_41 = tpu.memref_squeeze %dma_wait3A_40 : memref<1x128xi32, #tpu.memory_space<vmem>> -> memref<128xi32, #tpu.memory_space<vmem>>
      %dma_wait3A_42 = arith.constant 0 : i32
      %dma_wait3A_43 = arith.constant 0 : i32
      %dma_wait3A_44 = tpu.memref_slice %arg5[%dma_wait3A_42, %dma_wait3A_43] : memref<640x16xf32, #tpu.memory_space<vmem_shared>> -> memref<640x16xf32, #tpu.memory_space<vmem_shared>>
      tpu.wait_indirect_dma semaphore(%arg9 : memref<!tpu.dma_semaphore, #tpu.memory_space<semaphore_mem>>) src(%dma_wait3A_38 : memref<128x16xf32, #tpu.memory_space<vmem>>) dst(%dma_wait3A_44 : memref<640x16xf32, #tpu.memory_space<vmem_shared>>)
    }
    %scan3A_29 = arith.constant 5 : i32
    %barrier3A_30 = arith.constant 0 : index
    tpu.barrier barrier_id(%barrier3A_30)
    "tpu.region"() ({
      %run_scoped3A = tpu.sem_alloc : memref<!tpu.dma_semaphore, #tpu.memory_space<semaphore_mem>>
      %dma_start3A = arith.constant 0 : i32
      %dma_start3A_31 = arith.constant 0 : i32
      %dma_start3A_32 = tpu.memref_slice %arg4[%arg0, %dma_start3A, %dma_start3A_31] : memref<2x640x16xf32, #tpu.memory_space<hbm>> -> memref<1x640x16xf32, #tpu.memory_space<hbm>>
      %dma_start3A_33 = tpu.memref_squeeze %dma_start3A_32 : memref<1x640x16xf32, #tpu.memory_space<hbm>> -> memref<640x16xf32, #tpu.memory_space<hbm>>
      %dma_start3A_34 = arith.constant 0 : i32
      %dma_start3A_35 = tpu.memref_slice %dma_start3A_33[%mul3A_0, %dma_start3A_34] : memref<640x16xf32, #tpu.memory_space<hbm>> -> memref<40x16xf32, #tpu.memory_space<hbm>>
      %dma_start3A_36 = arith.constant 0 : i32
      %dma_start3A_37 = tpu.memref_slice %arg5[%mul3A_0, %dma_start3A_36] : memref<640x16xf32, #tpu.memory_space<vmem_shared>> -> memref<40x16xf32, #tpu.memory_space<vmem_shared>>
      tpu.enqueue_dma source(%dma_start3A_37 : memref<40x16xf32, #tpu.memory_space<vmem_shared>>) target(%dma_start3A_35 : memref<40x16xf32, #tpu.memory_space<hbm>>) target_semaphore(%run_scoped3A : memref<!tpu.dma_semaphore, #tpu.memory_space<semaphore_mem>>)
      %dma_wait3A = arith.constant 0 : i32
      %dma_wait3A_38 = arith.constant 0 : i32
      %dma_wait3A_39 = tpu.memref_slice %arg4[%arg0, %dma_wait3A, %dma_wait3A_38] : memref<2x640x16xf32, #tpu.memory_space<hbm>> -> memref<1x640x16xf32, #tpu.memory_space<hbm>>
      %dma_wait3A_40 = tpu.memref_squeeze %dma_wait3A_39 : memref<1x640x16xf32, #tpu.memory_space<hbm>> -> memref<640x16xf32, #tpu.memory_space<hbm>>
      %dma_wait3A_41 = arith.constant 0 : i32
      %dma_wait3A_42 = tpu.memref_slice %dma_wait3A_40[%mul3A_0, %dma_wait3A_41] : memref<640x16xf32, #tpu.memory_space<hbm>> -> memref<40x16xf32, #tpu.memory_space<hbm>>
      %dma_wait3A_43 = arith.constant 0 : i32
      %dma_wait3A_44 = tpu.memref_slice %arg5[%mul3A_0, %dma_wait3A_43] : memref<640x16xf32, #tpu.memory_space<vmem_shared>> -> memref<40x16xf32, #tpu.memory_space<vmem_shared>>
      tpu.wait_dma2 semaphore(%run_scoped3A : memref<!tpu.dma_semaphore, #tpu.memory_space<semaphore_mem>>) src(%dma_wait3A_44 : memref<40x16xf32, #tpu.memory_space<vmem_shared>>) dst(%dma_wait3A_42 : memref<40x16xf32, #tpu.memory_space<hbm>>)
      tpu.yield
    }) : () -> ()
    return
  }
}

#map = affine_map<(d0, d1) -> (0, 0, 0)>
#map1 = affine_map<(d0, d1) -> (0, 0)>
#map2 = affine_map<(d0, d1) -> (0)>
#map3 = affine_map<(d0, d1) -> (0, 0, 0, 0)>
module attributes {stable_mosaic.version = 14 : i64} {
  func.func @_layer2_kernel(%arg0: i32, %arg1: i32, %arg2: memref<2x10240x16xf32, #tpu.memory_space<hbm>>, %arg3: memref<2x10240xf32, #tpu.memory_space<hbm>>, %arg4: memref<16xf32, #tpu.memory_space<hbm>>, %arg5: memref<2x32x80x128xi32, #tpu.memory_space<hbm>>, %arg6: memref<2x10240x16xf32, #tpu.memory_space<hbm>>, %arg7: memref<10240x16xf32, #tpu.memory_space<vmem_shared>>, %arg8: memref<10240x16xf32, #tpu.memory_space<vmem_shared>>, %arg9: memref<640x16xf32, #tpu.memory_space<vmem>>, %arg10: memref<80x128xi32, #tpu.memory_space<vmem>>, %arg11: memref<80x128xi32, #tpu.memory_space<vmem>>, %arg12: memref<128x16xf32, #tpu.memory_space<vmem>>, %arg13: memref<128x16xf32, #tpu.memory_space<vmem>>, %arg14: memref<!tpu.dma_semaphore, #tpu.memory_space<semaphore_mem>>, %arg15: memref<!tpu.dma_semaphore, #tpu.memory_space<semaphore_mem>>, %arg16: memref<640x16xf32, #tpu.memory_space<vmem>>, %arg17: memref<640xf32, #tpu.memory_space<vmem>>, %arg18: memref<640xf32, #tpu.memory_space<vmem>>, %arg19: memref<16xf32, #tpu.memory_space<vmem>>) attributes {dimension_semantics = [#tpu.dimension_semantics<core_parallel>, #tpu.dimension_semantics<subcore_parallel>], iteration_bounds = array<i64: 2, 16>, scalar_prefetch = 0 : i64, scratch_operands = 13 : i64, tpu.core_type = #tpu.core_type<sc_vector_subcore>, window_params = [{transform_indices = #map}, {transform_indices = #map1}, {transform_indices = #map2}, {transform_indices = #map3}, {transform_indices = #map}]} {
    %mul3A = arith.constant 16 : i32
    %mul3A_0 = arith.muli %arg0, %mul3A : i32
    %add3A = arith.addi %mul3A_0, %arg1 : i32
    %mul3A_1 = arith.constant 640 : i32
    %mul3A_2 = arith.muli %arg1, %mul3A_1 : i32
    "tpu.region"() ({
      %run_scoped3A_35 = tpu.sem_alloc : memref<!tpu.dma_semaphore, #tpu.memory_space<semaphore_mem>>
      tpu.enqueue_dma source(%arg4 : memref<16xf32, #tpu.memory_space<hbm>>) target(%arg19 : memref<16xf32, #tpu.memory_space<vmem>>) target_semaphore(%run_scoped3A_35 : memref<!tpu.dma_semaphore, #tpu.memory_space<semaphore_mem>>)
      tpu.wait_dma2 semaphore(%run_scoped3A_35 : memref<!tpu.dma_semaphore, #tpu.memory_space<semaphore_mem>>) src(%arg4 : memref<16xf32, #tpu.memory_space<hbm>>) dst(%arg19 : memref<16xf32, #tpu.memory_space<vmem>>)
      tpu.yield
    }) : () -> ()
    %get3A = arith.constant 0 : index
    %get3A_3 = tpu.vector_load %arg19[%get3A] {strides = array<i32>} : memref<16xf32, #tpu.memory_space<vmem>>, vector<16xf32>,
    %run_scoped3A = arith.constant 0 : i32
    "tpu.region"() ({
      %run_scoped3A_35 = tpu.sem_alloc : memref<!tpu.dma_semaphore, #tpu.memory_space<semaphore_mem>>
      %dma_start3A_36 = arith.constant 0 : i32
      %dma_start3A_37 = arith.constant 0 : i32
      %dma_start3A_38 = tpu.memref_slice %arg2[%run_scoped3A, %dma_start3A_36, %dma_start3A_37] : memref<2x10240x16xf32, #tpu.memory_space<hbm>> -> memref<1x10240x16xf32, #tpu.memory_space<hbm>>
      %dma_start3A_39 = tpu.memref_squeeze %dma_start3A_38 : memref<1x10240x16xf32, #tpu.memory_space<hbm>> -> memref<10240x16xf32, #tpu.memory_space<hbm>>
      %dma_start3A_40 = arith.constant 0 : i32
      %dma_start3A_41 = tpu.memref_slice %dma_start3A_39[%mul3A_2, %dma_start3A_40] : memref<10240x16xf32, #tpu.memory_space<hbm>> -> memref<640x16xf32, #tpu.memory_space<hbm>>
      %dma_start3A_42 = arith.constant 0 : i32
      %dma_start3A_43 = arith.constant 0 : i32
      %dma_start3A_44 = tpu.memref_slice %arg2[%run_scoped3A, %dma_start3A_42, %dma_start3A_43] : memref<2x10240x16xf32, #tpu.memory_space<hbm>> -> memref<1x10240x16xf32, #tpu.memory_space<hbm>>
      %dma_start3A_45 = tpu.memref_squeeze %dma_start3A_44 : memref<1x10240x16xf32, #tpu.memory_space<hbm>> -> memref<10240x16xf32, #tpu.memory_space<hbm>>
      %dma_start3A_46 = arith.constant 0 : i32
      %dma_start3A_47 = tpu.memref_slice %dma_start3A_45[%mul3A_2, %dma_start3A_46] : memref<10240x16xf32, #tpu.memory_space<hbm>> -> memref<640x16xf32, #tpu.memory_space<hbm>>
      tpu.enqueue_dma source(%dma_start3A_47 : memref<640x16xf32, #tpu.memory_space<hbm>>) target(%arg9 : memref<640x16xf32, #tpu.memory_space<vmem>>) target_semaphore(%run_scoped3A_35 : memref<!tpu.dma_semaphore, #tpu.memory_space<semaphore_mem>>)
      %dma_wait3A = arith.constant 0 : i32
      %dma_wait3A_48 = arith.constant 0 : i32
      %dma_wait3A_49 = tpu.memref_slice %arg2[%run_scoped3A, %dma_wait3A, %dma_wait3A_48] : memref<2x10240x16xf32, #tpu.memory_space<hbm>> -> memref<1x10240x16xf32, #tpu.memory_space<hbm>>
      %dma_wait3A_50 = tpu.memref_squeeze %dma_wait3A_49 : memref<1x10240x16xf32, #tpu.memory_space<hbm>> -> memref<10240x16xf32, #tpu.memory_space<hbm>>
      %dma_wait3A_51 = arith.constant 0 : i32
      %dma_wait3A_52 = tpu.memref_slice %dma_wait3A_50[%mul3A_2, %dma_wait3A_51] : memref<10240x16xf32, #tpu.memory_space<hbm>> -> memref<640x16xf32, #tpu.memory_space<hbm>>
      %dma_wait3A_53 = arith.constant 0 : i32
      %dma_wait3A_54 = arith.constant 0 : i32
      %dma_wait3A_55 = tpu.memref_slice %arg2[%run_scoped3A, %dma_wait3A_53, %dma_wait3A_54] : memref<2x10240x16xf32, #tpu.memory_space<hbm>> -> memref<1x10240x16xf32, #tpu.memory_space<hbm>>
      %dma_wait3A_56 = tpu.memref_squeeze %dma_wait3A_55 : memref<1x10240x16xf32, #tpu.memory_space<hbm>> -> memref<10240x16xf32, #tpu.memory_space<hbm>>
      %dma_wait3A_57 = arith.constant 0 : i32
      %dma_wait3A_58 = tpu.memref_slice %dma_wait3A_56[%mul3A_2, %dma_wait3A_57] : memref<10240x16xf32, #tpu.memory_space<hbm>> -> memref<640x16xf32, #tpu.memory_space<hbm>>
      tpu.wait_dma2 semaphore(%run_scoped3A_35 : memref<!tpu.dma_semaphore, #tpu.memory_space<semaphore_mem>>) src(%dma_wait3A_58 : memref<640x16xf32, #tpu.memory_space<hbm>>) dst(%arg9 : memref<640x16xf32, #tpu.memory_space<vmem>>)
      tpu.yield
    }) : () -> ()
    %run_scoped3A_4 = arith.constant 1 : i32
    "tpu.region"() ({
      %run_scoped3A_35 = tpu.sem_alloc : memref<!tpu.dma_semaphore, #tpu.memory_space<semaphore_mem>>
      %dma_start3A_36 = arith.constant 0 : i32
      %dma_start3A_37 = arith.constant 0 : i32
      %dma_start3A_38 = tpu.memref_slice %arg2[%run_scoped3A_4, %dma_start3A_36, %dma_start3A_37] : memref<2x10240x16xf32, #tpu.memory_space<hbm>> -> memref<1x10240x16xf32, #tpu.memory_space<hbm>>
      %dma_start3A_39 = tpu.memref_squeeze %dma_start3A_38 : memref<1x10240x16xf32, #tpu.memory_space<hbm>> -> memref<10240x16xf32, #tpu.memory_space<hbm>>
      %dma_start3A_40 = arith.constant 0 : i32
      %dma_start3A_41 = tpu.memref_slice %dma_start3A_39[%mul3A_2, %dma_start3A_40] : memref<10240x16xf32, #tpu.memory_space<hbm>> -> memref<640x16xf32, #tpu.memory_space<hbm>>
      %dma_start3A_42 = arith.constant 0 : i32
      %dma_start3A_43 = arith.constant 0 : i32
      %dma_start3A_44 = tpu.memref_slice %arg2[%run_scoped3A_4, %dma_start3A_42, %dma_start3A_43] : memref<2x10240x16xf32, #tpu.memory_space<hbm>> -> memref<1x10240x16xf32, #tpu.memory_space<hbm>>
      %dma_start3A_45 = tpu.memref_squeeze %dma_start3A_44 : memref<1x10240x16xf32, #tpu.memory_space<hbm>> -> memref<10240x16xf32, #tpu.memory_space<hbm>>
      %dma_start3A_46 = arith.constant 0 : i32
      %dma_start3A_47 = tpu.memref_slice %dma_start3A_45[%mul3A_2, %dma_start3A_46] : memref<10240x16xf32, #tpu.memory_space<hbm>> -> memref<640x16xf32, #tpu.memory_space<hbm>>
      tpu.enqueue_dma source(%dma_start3A_47 : memref<640x16xf32, #tpu.memory_space<hbm>>) target(%arg16 : memref<640x16xf32, #tpu.memory_space<vmem>>) target_semaphore(%run_scoped3A_35 : memref<!tpu.dma_semaphore, #tpu.memory_space<semaphore_mem>>)
      %dma_wait3A = arith.constant 0 : i32
      %dma_wait3A_48 = arith.constant 0 : i32
      %dma_wait3A_49 = tpu.memref_slice %arg2[%run_scoped3A_4, %dma_wait3A, %dma_wait3A_48] : memref<2x10240x16xf32, #tpu.memory_space<hbm>> -> memref<1x10240x16xf32, #tpu.memory_space<hbm>>
      %dma_wait3A_50 = tpu.memref_squeeze %dma_wait3A_49 : memref<1x10240x16xf32, #tpu.memory_space<hbm>> -> memref<10240x16xf32, #tpu.memory_space<hbm>>
      %dma_wait3A_51 = arith.constant 0 : i32
      %dma_wait3A_52 = tpu.memref_slice %dma_wait3A_50[%mul3A_2, %dma_wait3A_51] : memref<10240x16xf32, #tpu.memory_space<hbm>> -> memref<640x16xf32, #tpu.memory_space<hbm>>
      %dma_wait3A_53 = arith.constant 0 : i32
      %dma_wait3A_54 = arith.constant 0 : i32
      %dma_wait3A_55 = tpu.memref_slice %arg2[%run_scoped3A_4, %dma_wait3A_53, %dma_wait3A_54] : memref<2x10240x16xf32, #tpu.memory_space<hbm>> -> memref<1x10240x16xf32, #tpu.memory_space<hbm>>
      %dma_wait3A_56 = tpu.memref_squeeze %dma_wait3A_55 : memref<1x10240x16xf32, #tpu.memory_space<hbm>> -> memref<10240x16xf32, #tpu.memory_space<hbm>>
      %dma_wait3A_57 = arith.constant 0 : i32
      %dma_wait3A_58 = tpu.memref_slice %dma_wait3A_56[%mul3A_2, %dma_wait3A_57] : memref<10240x16xf32, #tpu.memory_space<hbm>> -> memref<640x16xf32, #tpu.memory_space<hbm>>
      tpu.wait_dma2 semaphore(%run_scoped3A_35 : memref<!tpu.dma_semaphore, #tpu.memory_space<semaphore_mem>>) src(%dma_wait3A_58 : memref<640x16xf32, #tpu.memory_space<hbm>>) dst(%arg16 : memref<640x16xf32, #tpu.memory_space<vmem>>)
      tpu.yield
    }) : () -> ()
    %run_scoped3A_5 = arith.constant 1 : i32
    "tpu.region"() ({
      %run_scoped3A_35 = tpu.sem_alloc : memref<!tpu.dma_semaphore, #tpu.memory_space<semaphore_mem>>
      %dma_start3A_36 = arith.constant 0 : i32
      %dma_start3A_37 = tpu.memref_slice %arg3[%run_scoped3A_5, %dma_start3A_36] : memref<2x10240xf32, #tpu.memory_space<hbm>> -> memref<1x10240xf32, #tpu.memory_space<hbm>>
      %dma_start3A_38 = tpu.memref_squeeze %dma_start3A_37 : memref<1x10240xf32, #tpu.memory_space<hbm>> -> memref<10240xf32, #tpu.memory_space<hbm>>
      %dma_start3A_39 = tpu.memref_slice %dma_start3A_38[%mul3A_2] : memref<10240xf32, #tpu.memory_space<hbm>> -> memref<640xf32, #tpu.memory_space<hbm>>
      %dma_start3A_40 = arith.constant 0 : i32
      %dma_start3A_41 = tpu.memref_slice %arg3[%run_scoped3A_5, %dma_start3A_40] : memref<2x10240xf32, #tpu.memory_space<hbm>> -> memref<1x10240xf32, #tpu.memory_space<hbm>>
      %dma_start3A_42 = tpu.memref_squeeze %dma_start3A_41 : memref<1x10240xf32, #tpu.memory_space<hbm>> -> memref<10240xf32, #tpu.memory_space<hbm>>
      %dma_start3A_43 = tpu.memref_slice %dma_start3A_42[%mul3A_2] : memref<10240xf32, #tpu.memory_space<hbm>> -> memref<640xf32, #tpu.memory_space<hbm>>
      tpu.enqueue_dma source(%dma_start3A_43 : memref<640xf32, #tpu.memory_space<hbm>>) target(%arg17 : memref<640xf32, #tpu.memory_space<vmem>>) target_semaphore(%run_scoped3A_35 : memref<!tpu.dma_semaphore, #tpu.memory_space<semaphore_mem>>)
      %dma_wait3A = arith.constant 0 : i32
      %dma_wait3A_44 = tpu.memref_slice %arg3[%run_scoped3A_5, %dma_wait3A] : memref<2x10240xf32, #tpu.memory_space<hbm>> -> memref<1x10240xf32, #tpu.memory_space<hbm>>
      %dma_wait3A_45 = tpu.memref_squeeze %dma_wait3A_44 : memref<1x10240xf32, #tpu.memory_space<hbm>> -> memref<10240xf32, #tpu.memory_space<hbm>>
      %dma_wait3A_46 = tpu.memref_slice %dma_wait3A_45[%mul3A_2] : memref<10240xf32, #tpu.memory_space<hbm>> -> memref<640xf32, #tpu.memory_space<hbm>>
      %dma_wait3A_47 = arith.constant 0 : i32
      %dma_wait3A_48 = tpu.memref_slice %arg3[%run_scoped3A_5, %dma_wait3A_47] : memref<2x10240xf32, #tpu.memory_space<hbm>> -> memref<1x10240xf32, #tpu.memory_space<hbm>>
      %dma_wait3A_49 = tpu.memref_squeeze %dma_wait3A_48 : memref<1x10240xf32, #tpu.memory_space<hbm>> -> memref<10240xf32, #tpu.memory_space<hbm>>
      %dma_wait3A_50 = tpu.memref_slice %dma_wait3A_49[%mul3A_2] : memref<10240xf32, #tpu.memory_space<hbm>> -> memref<640xf32, #tpu.memory_space<hbm>>
      tpu.wait_dma2 semaphore(%run_scoped3A_35 : memref<!tpu.dma_semaphore, #tpu.memory_space<semaphore_mem>>) src(%dma_wait3A_50 : memref<640xf32, #tpu.memory_space<hbm>>) dst(%arg17 : memref<640xf32, #tpu.memory_space<vmem>>)
      tpu.yield
    }) : () -> ()
    %run_scoped3A_6 = arith.constant 0 : i32
    "tpu.region"() ({
      %run_scoped3A_35 = tpu.sem_alloc : memref<!tpu.dma_semaphore, #tpu.memory_space<semaphore_mem>>
      %dma_start3A_36 = arith.constant 0 : i32
      %dma_start3A_37 = tpu.memref_slice %arg3[%run_scoped3A_6, %dma_start3A_36] : memref<2x10240xf32, #tpu.memory_space<hbm>> -> memref<1x10240xf32, #tpu.memory_space<hbm>>
      %dma_start3A_38 = tpu.memref_squeeze %dma_start3A_37 : memref<1x10240xf32, #tpu.memory_space<hbm>> -> memref<10240xf32, #tpu.memory_space<hbm>>
      %dma_start3A_39 = tpu.memref_slice %dma_start3A_38[%mul3A_2] : memref<10240xf32, #tpu.memory_space<hbm>> -> memref<640xf32, #tpu.memory_space<hbm>>
      %dma_start3A_40 = arith.constant 0 : i32
      %dma_start3A_41 = tpu.memref_slice %arg3[%run_scoped3A_6, %dma_start3A_40] : memref<2x10240xf32, #tpu.memory_space<hbm>> -> memref<1x10240xf32, #tpu.memory_space<hbm>>
      %dma_start3A_42 = tpu.memref_squeeze %dma_start3A_41 : memref<1x10240xf32, #tpu.memory_space<hbm>> -> memref<10240xf32, #tpu.memory_space<hbm>>
      %dma_start3A_43 = tpu.memref_slice %dma_start3A_42[%mul3A_2] : memref<10240xf32, #tpu.memory_space<hbm>> -> memref<640xf32, #tpu.memory_space<hbm>>
      tpu.enqueue_dma source(%dma_start3A_43 : memref<640xf32, #tpu.memory_space<hbm>>) target(%arg18 : memref<640xf32, #tpu.memory_space<vmem>>) target_semaphore(%run_scoped3A_35 : memref<!tpu.dma_semaphore, #tpu.memory_space<semaphore_mem>>)
      %dma_wait3A = arith.constant 0 : i32
      %dma_wait3A_44 = tpu.memref_slice %arg3[%run_scoped3A_6, %dma_wait3A] : memref<2x10240xf32, #tpu.memory_space<hbm>> -> memref<1x10240xf32, #tpu.memory_space<hbm>>
      %dma_wait3A_45 = tpu.memref_squeeze %dma_wait3A_44 : memref<1x10240xf32, #tpu.memory_space<hbm>> -> memref<10240xf32, #tpu.memory_space<hbm>>
      %dma_wait3A_46 = tpu.memref_slice %dma_wait3A_45[%mul3A_2] : memref<10240xf32, #tpu.memory_space<hbm>> -> memref<640xf32, #tpu.memory_space<hbm>>
      %dma_wait3A_47 = arith.constant 0 : i32
      %dma_wait3A_48 = tpu.memref_slice %arg3[%run_scoped3A_6, %dma_wait3A_47] : memref<2x10240xf32, #tpu.memory_space<hbm>> -> memref<1x10240xf32, #tpu.memory_space<hbm>>
      %dma_wait3A_49 = tpu.memref_squeeze %dma_wait3A_48 : memref<1x10240xf32, #tpu.memory_space<hbm>> -> memref<10240xf32, #tpu.memory_space<hbm>>
      %dma_wait3A_50 = tpu.memref_slice %dma_wait3A_49[%mul3A_2] : memref<10240xf32, #tpu.memory_space<hbm>> -> memref<640xf32, #tpu.memory_space<hbm>>
      tpu.wait_dma2 semaphore(%run_scoped3A_35 : memref<!tpu.dma_semaphore, #tpu.memory_space<semaphore_mem>>) src(%dma_wait3A_50 : memref<640xf32, #tpu.memory_space<hbm>>) dst(%arg18 : memref<640xf32, #tpu.memory_space<vmem>>)
      tpu.yield
    }) : () -> ()
    %scan3A = arith.constant 0 : i32
    %scan3A_7 = arith.constant 640 : i32
    %scan3A_8 = arith.addi %scan3A, %scan3A_7 : i32
    %scan3A_9 = arith.constant 1 : i32
    scf.for %scan3A_35 = %scan3A to %scan3A_8 step %scan3A_9  : i32 {
      %mul3A_36 = arith.constant 1 : i32
      %mul3A_37 = arith.muli %scan3A_35, %mul3A_36 : i32
      %add3A_38 = arith.constant 0 : i32
      %add3A_39 = arith.addi %add3A_38, %mul3A_37 : i32
      %broadcast_in_dim3A = vector.broadcast %add3A_39 : i32 to vector<16xi32>
      %gather3A = tpu.vector_load_idx %arg17[%broadcast_in_dim3A] : memref<640xf32, #tpu.memory_space<vmem>>[vector<16xi32>], vector<16xf32>,
      %gather3A_40 = tpu.vector_load_idx %arg18[%broadcast_in_dim3A] : memref<640xf32, #tpu.memory_space<vmem>>[vector<16xi32>], vector<16xf32>,
      %get3A_41 = arith.index_cast %add3A_39 : i32 to index
      %get3A_42 = arith.constant 0 : index
      %get3A_43 = tpu.vector_load %arg9[%get3A_41, %get3A_42] {strides = array<i32>} : memref<640x16xf32, #tpu.memory_space<vmem>>, vector<16xf32>,
      %get3A_44 = arith.index_cast %add3A_39 : i32 to index
      %get3A_45 = arith.constant 0 : index
      %get3A_46 = tpu.vector_load %arg16[%get3A_44, %get3A_45] {strides = array<i32>} : memref<640x16xf32, #tpu.memory_space<vmem>>, vector<16xf32>,
      %add3A_47 = arith.addf %get3A_43, %get3A_46 : vector<16xf32>
      %mul3A_48 = arith.mulf %add3A_47, %gather3A : vector<16xf32>
      %add3A_49 = arith.addf %mul3A_48, %get3A_3 : vector<16xf32>
      %max3A = arith.constant 0.000000e+00 : f32
      %max3A_50 = vector.broadcast %max3A : f32 to vector<16xf32>
      %max3A_51 = arith.maximumf %add3A_49, %max3A_50 : vector<16xf32>
      %mul3A_52 = arith.mulf %max3A_51, %gather3A_40 : vector<16xf32>
      %swap3A = arith.index_cast %add3A_39 : i32 to index
      %swap3A_53 = arith.constant 0 : index
      %swap3A_54 = tpu.vector_load %arg9[%swap3A, %swap3A_53] {strides = array<i32>} : memref<640x16xf32, #tpu.memory_space<vmem>>, vector<16xf32>,
      tpu.vector_store %arg9[%swap3A, %swap3A_53], %mul3A_52 {strides = array<i32>} : memref<640x16xf32, #tpu.memory_space<vmem>>, vector<16xf32>,
    }
    %scan3A_10 = arith.constant 640 : i32
    "tpu.region"() ({
      %run_scoped3A_35 = tpu.sem_alloc : memref<!tpu.dma_semaphore, #tpu.memory_space<semaphore_mem>>
      %dma_start3A_36 = arith.constant 0 : i32
      %dma_start3A_37 = tpu.memref_slice %arg7[%mul3A_2, %dma_start3A_36] : memref<10240x16xf32, #tpu.memory_space<vmem_shared>> -> memref<640x16xf32, #tpu.memory_space<vmem_shared>>
      %dma_start3A_38 = arith.constant 0 : i32
      %dma_start3A_39 = tpu.memref_slice %arg7[%mul3A_2, %dma_start3A_38] : memref<10240x16xf32, #tpu.memory_space<vmem_shared>> -> memref<640x16xf32, #tpu.memory_space<vmem_shared>>
      tpu.enqueue_dma source(%arg9 : memref<640x16xf32, #tpu.memory_space<vmem>>) target(%dma_start3A_39 : memref<640x16xf32, #tpu.memory_space<vmem_shared>>) target_semaphore(%run_scoped3A_35 : memref<!tpu.dma_semaphore, #tpu.memory_space<semaphore_mem>>)
      %dma_wait3A = arith.constant 0 : i32
      %dma_wait3A_40 = tpu.memref_slice %arg7[%mul3A_2, %dma_wait3A] : memref<10240x16xf32, #tpu.memory_space<vmem_shared>> -> memref<640x16xf32, #tpu.memory_space<vmem_shared>>
      %dma_wait3A_41 = arith.constant 0 : i32
      %dma_wait3A_42 = tpu.memref_slice %arg7[%mul3A_2, %dma_wait3A_41] : memref<10240x16xf32, #tpu.memory_space<vmem_shared>> -> memref<640x16xf32, #tpu.memory_space<vmem_shared>>
      tpu.wait_dma2 semaphore(%run_scoped3A_35 : memref<!tpu.dma_semaphore, #tpu.memory_space<semaphore_mem>>) src(%arg9 : memref<640x16xf32, #tpu.memory_space<vmem>>) dst(%dma_wait3A_42 : memref<640x16xf32, #tpu.memory_space<vmem_shared>>)
      tpu.yield
    }) : () -> ()
    %scan3A_11 = arith.constant 0 : i32
    %scan3A_12 = arith.constant 640 : i32
    %scan3A_13 = arith.addi %scan3A_11, %scan3A_12 : i32
    %scan3A_14 = arith.constant 1 : i32
    scf.for %scan3A_35 = %scan3A_11 to %scan3A_13 step %scan3A_14  : i32 {
      %mul3A_36 = arith.constant 1 : i32
      %mul3A_37 = arith.muli %scan3A_35, %mul3A_36 : i32
      %add3A_38 = arith.constant 0 : i32
      %add3A_39 = arith.addi %add3A_38, %mul3A_37 : i32
      %broadcast_in_dim3A = arith.constant 0.000000e+00 : f32
      %broadcast_in_dim3A_40 = vector.broadcast %broadcast_in_dim3A : f32 to vector<16xf32>
      %swap3A = arith.index_cast %add3A_39 : i32 to index
      %swap3A_41 = arith.constant 0 : index
      %swap3A_42 = tpu.vector_load %arg9[%swap3A, %swap3A_41] {strides = array<i32>} : memref<640x16xf32, #tpu.memory_space<vmem>>, vector<16xf32>,
      tpu.vector_store %arg9[%swap3A, %swap3A_41], %broadcast_in_dim3A_40 {strides = array<i32>} : memref<640x16xf32, #tpu.memory_space<vmem>>, vector<16xf32>,
    }
    %scan3A_15 = arith.constant 640 : i32
    "tpu.region"() ({
      %run_scoped3A_35 = tpu.sem_alloc : memref<!tpu.dma_semaphore, #tpu.memory_space<semaphore_mem>>
      %dma_start3A_36 = arith.constant 0 : i32
      %dma_start3A_37 = tpu.memref_slice %arg8[%mul3A_2, %dma_start3A_36] : memref<10240x16xf32, #tpu.memory_space<vmem_shared>> -> memref<640x16xf32, #tpu.memory_space<vmem_shared>>
      %dma_start3A_38 = arith.constant 0 : i32
      %dma_start3A_39 = tpu.memref_slice %arg8[%mul3A_2, %dma_start3A_38] : memref<10240x16xf32, #tpu.memory_space<vmem_shared>> -> memref<640x16xf32, #tpu.memory_space<vmem_shared>>
      tpu.enqueue_dma source(%arg9 : memref<640x16xf32, #tpu.memory_space<vmem>>) target(%dma_start3A_39 : memref<640x16xf32, #tpu.memory_space<vmem_shared>>) target_semaphore(%run_scoped3A_35 : memref<!tpu.dma_semaphore, #tpu.memory_space<semaphore_mem>>)
      %dma_wait3A = arith.constant 0 : i32
      %dma_wait3A_40 = tpu.memref_slice %arg8[%mul3A_2, %dma_wait3A] : memref<10240x16xf32, #tpu.memory_space<vmem_shared>> -> memref<640x16xf32, #tpu.memory_space<vmem_shared>>
      %dma_wait3A_41 = arith.constant 0 : i32
      %dma_wait3A_42 = tpu.memref_slice %arg8[%mul3A_2, %dma_wait3A_41] : memref<10240x16xf32, #tpu.memory_space<vmem_shared>> -> memref<640x16xf32, #tpu.memory_space<vmem_shared>>
      tpu.wait_dma2 semaphore(%run_scoped3A_35 : memref<!tpu.dma_semaphore, #tpu.memory_space<semaphore_mem>>) src(%arg9 : memref<640x16xf32, #tpu.memory_space<vmem>>) dst(%dma_wait3A_42 : memref<640x16xf32, #tpu.memory_space<vmem_shared>>)
      tpu.yield
    }) : () -> ()
    %run_scoped3A_16 = arith.constant 0 : i32
    "tpu.region"() ({
      %run_scoped3A_35 = tpu.sem_alloc : memref<!tpu.dma_semaphore, #tpu.memory_space<semaphore_mem>>
      %dma_start3A_36 = arith.constant 0 : i32
      %dma_start3A_37 = arith.constant 0 : i32
      %dma_start3A_38 = arith.constant 0 : i32
      %dma_start3A_39 = tpu.memref_slice %arg5[%run_scoped3A_16, %dma_start3A_36, %dma_start3A_37, %dma_start3A_38] : memref<2x32x80x128xi32, #tpu.memory_space<hbm>> -> memref<1x32x80x128xi32, #tpu.memory_space<hbm>>
      %dma_start3A_40 = tpu.memref_squeeze %dma_start3A_39 : memref<1x32x80x128xi32, #tpu.memory_space<hbm>> -> memref<32x80x128xi32, #tpu.memory_space<hbm>>
      %dma_start3A_41 = arith.constant 0 : i32
      %dma_start3A_42 = arith.constant 0 : i32
      %dma_start3A_43 = tpu.memref_slice %dma_start3A_40[%add3A, %dma_start3A_41, %dma_start3A_42] : memref<32x80x128xi32, #tpu.memory_space<hbm>> -> memref<1x80x128xi32, #tpu.memory_space<hbm>>
      %dma_start3A_44 = tpu.memref_squeeze %dma_start3A_43 : memref<1x80x128xi32, #tpu.memory_space<hbm>> -> memref<80x128xi32, #tpu.memory_space<hbm>>
      %dma_start3A_45 = arith.constant 0 : i32
      %dma_start3A_46 = arith.constant 0 : i32
      %dma_start3A_47 = arith.constant 0 : i32
      %dma_start3A_48 = tpu.memref_slice %arg5[%run_scoped3A_16, %dma_start3A_45, %dma_start3A_46, %dma_start3A_47] : memref<2x32x80x128xi32, #tpu.memory_space<hbm>> -> memref<1x32x80x128xi32, #tpu.memory_space<hbm>>
      %dma_start3A_49 = tpu.memref_squeeze %dma_start3A_48 : memref<1x32x80x128xi32, #tpu.memory_space<hbm>> -> memref<32x80x128xi32, #tpu.memory_space<hbm>>
      %dma_start3A_50 = arith.constant 0 : i32
      %dma_start3A_51 = arith.constant 0 : i32
      %dma_start3A_52 = tpu.memref_slice %dma_start3A_49[%add3A, %dma_start3A_50, %dma_start3A_51] : memref<32x80x128xi32, #tpu.memory_space<hbm>> -> memref<1x80x128xi32, #tpu.memory_space<hbm>>
      %dma_start3A_53 = tpu.memref_squeeze %dma_start3A_52 : memref<1x80x128xi32, #tpu.memory_space<hbm>> -> memref<80x128xi32, #tpu.memory_space<hbm>>
      tpu.enqueue_dma source(%dma_start3A_53 : memref<80x128xi32, #tpu.memory_space<hbm>>) target(%arg10 : memref<80x128xi32, #tpu.memory_space<vmem>>) target_semaphore(%run_scoped3A_35 : memref<!tpu.dma_semaphore, #tpu.memory_space<semaphore_mem>>)
      %dma_wait3A = arith.constant 0 : i32
      %dma_wait3A_54 = arith.constant 0 : i32
      %dma_wait3A_55 = arith.constant 0 : i32
      %dma_wait3A_56 = tpu.memref_slice %arg5[%run_scoped3A_16, %dma_wait3A, %dma_wait3A_54, %dma_wait3A_55] : memref<2x32x80x128xi32, #tpu.memory_space<hbm>> -> memref<1x32x80x128xi32, #tpu.memory_space<hbm>>
      %dma_wait3A_57 = tpu.memref_squeeze %dma_wait3A_56 : memref<1x32x80x128xi32, #tpu.memory_space<hbm>> -> memref<32x80x128xi32, #tpu.memory_space<hbm>>
      %dma_wait3A_58 = arith.constant 0 : i32
      %dma_wait3A_59 = arith.constant 0 : i32
      %dma_wait3A_60 = tpu.memref_slice %dma_wait3A_57[%add3A, %dma_wait3A_58, %dma_wait3A_59] : memref<32x80x128xi32, #tpu.memory_space<hbm>> -> memref<1x80x128xi32, #tpu.memory_space<hbm>>
      %dma_wait3A_61 = tpu.memref_squeeze %dma_wait3A_60 : memref<1x80x128xi32, #tpu.memory_space<hbm>> -> memref<80x128xi32, #tpu.memory_space<hbm>>
      %dma_wait3A_62 = arith.constant 0 : i32
      %dma_wait3A_63 = arith.constant 0 : i32
      %dma_wait3A_64 = arith.constant 0 : i32
      %dma_wait3A_65 = tpu.memref_slice %arg5[%run_scoped3A_16, %dma_wait3A_62, %dma_wait3A_63, %dma_wait3A_64] : memref<2x32x80x128xi32, #tpu.memory_space<hbm>> -> memref<1x32x80x128xi32, #tpu.memory_space<hbm>>
      %dma_wait3A_66 = tpu.memref_squeeze %dma_wait3A_65 : memref<1x32x80x128xi32, #tpu.memory_space<hbm>> -> memref<32x80x128xi32, #tpu.memory_space<hbm>>
      %dma_wait3A_67 = arith.constant 0 : i32
      %dma_wait3A_68 = arith.constant 0 : i32
      %dma_wait3A_69 = tpu.memref_slice %dma_wait3A_66[%add3A, %dma_wait3A_67, %dma_wait3A_68] : memref<32x80x128xi32, #tpu.memory_space<hbm>> -> memref<1x80x128xi32, #tpu.memory_space<hbm>>
      %dma_wait3A_70 = tpu.memref_squeeze %dma_wait3A_69 : memref<1x80x128xi32, #tpu.memory_space<hbm>> -> memref<80x128xi32, #tpu.memory_space<hbm>>
      tpu.wait_dma2 semaphore(%run_scoped3A_35 : memref<!tpu.dma_semaphore, #tpu.memory_space<semaphore_mem>>) src(%dma_wait3A_70 : memref<80x128xi32, #tpu.memory_space<hbm>>) dst(%arg10 : memref<80x128xi32, #tpu.memory_space<vmem>>)
      tpu.yield
    }) : () -> ()
    %run_scoped3A_17 = arith.constant 1 : i32
    "tpu.region"() ({
      %run_scoped3A_35 = tpu.sem_alloc : memref<!tpu.dma_semaphore, #tpu.memory_space<semaphore_mem>>
      %dma_start3A_36 = arith.constant 0 : i32
      %dma_start3A_37 = arith.constant 0 : i32
      %dma_start3A_38 = arith.constant 0 : i32
      %dma_start3A_39 = tpu.memref_slice %arg5[%run_scoped3A_17, %dma_start3A_36, %dma_start3A_37, %dma_start3A_38] : memref<2x32x80x128xi32, #tpu.memory_space<hbm>> -> memref<1x32x80x128xi32, #tpu.memory_space<hbm>>
      %dma_start3A_40 = tpu.memref_squeeze %dma_start3A_39 : memref<1x32x80x128xi32, #tpu.memory_space<hbm>> -> memref<32x80x128xi32, #tpu.memory_space<hbm>>
      %dma_start3A_41 = arith.constant 0 : i32
      %dma_start3A_42 = arith.constant 0 : i32
      %dma_start3A_43 = tpu.memref_slice %dma_start3A_40[%add3A, %dma_start3A_41, %dma_start3A_42] : memref<32x80x128xi32, #tpu.memory_space<hbm>> -> memref<1x80x128xi32, #tpu.memory_space<hbm>>
      %dma_start3A_44 = tpu.memref_squeeze %dma_start3A_43 : memref<1x80x128xi32, #tpu.memory_space<hbm>> -> memref<80x128xi32, #tpu.memory_space<hbm>>
      %dma_start3A_45 = arith.constant 0 : i32
      %dma_start3A_46 = arith.constant 0 : i32
      %dma_start3A_47 = arith.constant 0 : i32
      %dma_start3A_48 = tpu.memref_slice %arg5[%run_scoped3A_17, %dma_start3A_45, %dma_start3A_46, %dma_start3A_47] : memref<2x32x80x128xi32, #tpu.memory_space<hbm>> -> memref<1x32x80x128xi32, #tpu.memory_space<hbm>>
      %dma_start3A_49 = tpu.memref_squeeze %dma_start3A_48 : memref<1x32x80x128xi32, #tpu.memory_space<hbm>> -> memref<32x80x128xi32, #tpu.memory_space<hbm>>
      %dma_start3A_50 = arith.constant 0 : i32
      %dma_start3A_51 = arith.constant 0 : i32
      %dma_start3A_52 = tpu.memref_slice %dma_start3A_49[%add3A, %dma_start3A_50, %dma_start3A_51] : memref<32x80x128xi32, #tpu.memory_space<hbm>> -> memref<1x80x128xi32, #tpu.memory_space<hbm>>
      %dma_start3A_53 = tpu.memref_squeeze %dma_start3A_52 : memref<1x80x128xi32, #tpu.memory_space<hbm>> -> memref<80x128xi32, #tpu.memory_space<hbm>>
      tpu.enqueue_dma source(%dma_start3A_53 : memref<80x128xi32, #tpu.memory_space<hbm>>) target(%arg11 : memref<80x128xi32, #tpu.memory_space<vmem>>) target_semaphore(%run_scoped3A_35 : memref<!tpu.dma_semaphore, #tpu.memory_space<semaphore_mem>>)
      %dma_wait3A = arith.constant 0 : i32
      %dma_wait3A_54 = arith.constant 0 : i32
      %dma_wait3A_55 = arith.constant 0 : i32
      %dma_wait3A_56 = tpu.memref_slice %arg5[%run_scoped3A_17, %dma_wait3A, %dma_wait3A_54, %dma_wait3A_55] : memref<2x32x80x128xi32, #tpu.memory_space<hbm>> -> memref<1x32x80x128xi32, #tpu.memory_space<hbm>>
      %dma_wait3A_57 = tpu.memref_squeeze %dma_wait3A_56 : memref<1x32x80x128xi32, #tpu.memory_space<hbm>> -> memref<32x80x128xi32, #tpu.memory_space<hbm>>
      %dma_wait3A_58 = arith.constant 0 : i32
      %dma_wait3A_59 = arith.constant 0 : i32
      %dma_wait3A_60 = tpu.memref_slice %dma_wait3A_57[%add3A, %dma_wait3A_58, %dma_wait3A_59] : memref<32x80x128xi32, #tpu.memory_space<hbm>> -> memref<1x80x128xi32, #tpu.memory_space<hbm>>
      %dma_wait3A_61 = tpu.memref_squeeze %dma_wait3A_60 : memref<1x80x128xi32, #tpu.memory_space<hbm>> -> memref<80x128xi32, #tpu.memory_space<hbm>>
      %dma_wait3A_62 = arith.constant 0 : i32
      %dma_wait3A_63 = arith.constant 0 : i32
      %dma_wait3A_64 = arith.constant 0 : i32
      %dma_wait3A_65 = tpu.memref_slice %arg5[%run_scoped3A_17, %dma_wait3A_62, %dma_wait3A_63, %dma_wait3A_64] : memref<2x32x80x128xi32, #tpu.memory_space<hbm>> -> memref<1x32x80x128xi32, #tpu.memory_space<hbm>>
      %dma_wait3A_66 = tpu.memref_squeeze %dma_wait3A_65 : memref<1x32x80x128xi32, #tpu.memory_space<hbm>> -> memref<32x80x128xi32, #tpu.memory_space<hbm>>
      %dma_wait3A_67 = arith.constant 0 : i32
      %dma_wait3A_68 = arith.constant 0 : i32
      %dma_wait3A_69 = tpu.memref_slice %dma_wait3A_66[%add3A, %dma_wait3A_67, %dma_wait3A_68] : memref<32x80x128xi32, #tpu.memory_space<hbm>> -> memref<1x80x128xi32, #tpu.memory_space<hbm>>
      %dma_wait3A_70 = tpu.memref_squeeze %dma_wait3A_69 : memref<1x80x128xi32, #tpu.memory_space<hbm>> -> memref<80x128xi32, #tpu.memory_space<hbm>>
      tpu.wait_dma2 semaphore(%run_scoped3A_35 : memref<!tpu.dma_semaphore, #tpu.memory_space<semaphore_mem>>) src(%dma_wait3A_70 : memref<80x128xi32, #tpu.memory_space<hbm>>) dst(%arg11 : memref<80x128xi32, #tpu.memory_space<vmem>>)
      tpu.yield
    }) : () -> ()
    %barrier3A = arith.constant 0 : index
    tpu.barrier barrier_id(%barrier3A)
    %dma_start3A = arith.constant 0 : i32
    %dma_start3A_18 = arith.constant 0 : i32
    %dma_start3A_19 = tpu.memref_slice %arg10[%dma_start3A, %dma_start3A_18] : memref<80x128xi32, #tpu.memory_space<vmem>> -> memref<1x128xi32, #tpu.memory_space<vmem>>
    %dma_start3A_20 = tpu.memref_squeeze %dma_start3A_19 : memref<1x128xi32, #tpu.memory_space<vmem>> -> memref<128xi32, #tpu.memory_space<vmem>>
    %dma_start3A_21 = arith.constant 0 : i32
    %dma_start3A_22 = arith.constant 0 : i32
    %dma_start3A_23 = tpu.memref_slice %arg7[%dma_start3A_21, %dma_start3A_22] : memref<10240x16xf32, #tpu.memory_space<vmem_shared>> -> memref<10240x16xf32, #tpu.memory_space<vmem_shared>>
    tpu.enqueue_indirect_dma source(%dma_start3A_23 : memref<10240x16xf32, #tpu.memory_space<vmem_shared>>) target(%arg12 : memref<128x16xf32, #tpu.memory_space<vmem>>) offsets(%dma_start3A_20 : memref<128xi32, #tpu.memory_space<vmem>>) semaphore(%arg14 : memref<!tpu.dma_semaphore, #tpu.memory_space<semaphore_mem>>)
    %scan3A_24 = arith.constant 0 : i32
    %scan3A_25 = arith.constant 40 : i32
    %scan3A_26 = arith.addi %scan3A_24, %scan3A_25 : i32
    %scan3A_27 = arith.constant 1 : i32
    scf.for %scan3A_35 = %scan3A_24 to %scan3A_26 step %scan3A_27  : i32 {
      %mul3A_36 = arith.constant 1 : i32
      %mul3A_37 = arith.muli %scan3A_35, %mul3A_36 : i32
      %add3A_38 = arith.constant 0 : i32
      %add3A_39 = arith.addi %add3A_38, %mul3A_37 : i32
      %mul3A_40 = arith.constant 2 : i32
      %mul3A_41 = arith.muli %mul3A_40, %add3A_39 : i32
      %dma_wait3A = arith.constant 0 : i32
      %dma_wait3A_42 = tpu.memref_slice %arg10[%mul3A_41, %dma_wait3A] : memref<80x128xi32, #tpu.memory_space<vmem>> -> memref<1x128xi32, #tpu.memory_space<vmem>>
      %dma_wait3A_43 = tpu.memref_squeeze %dma_wait3A_42 : memref<1x128xi32, #tpu.memory_space<vmem>> -> memref<128xi32, #tpu.memory_space<vmem>>
      %dma_wait3A_44 = arith.constant 0 : i32
      %dma_wait3A_45 = arith.constant 0 : i32
      %dma_wait3A_46 = tpu.memref_slice %arg7[%dma_wait3A_44, %dma_wait3A_45] : memref<10240x16xf32, #tpu.memory_space<vmem_shared>> -> memref<10240x16xf32, #tpu.memory_space<vmem_shared>>
      tpu.wait_indirect_dma semaphore(%arg14 : memref<!tpu.dma_semaphore, #tpu.memory_space<semaphore_mem>>) src(%dma_wait3A_46 : memref<10240x16xf32, #tpu.memory_space<vmem_shared>>) dst(%arg12 : memref<128x16xf32, #tpu.memory_space<vmem>>)
      %add3A_47 = arith.constant 1 : i32
      %add3A_48 = arith.addi %mul3A_41, %add3A_47 : i32
      %dma_start3A_49 = arith.constant 0 : i32
      %dma_start3A_50 = tpu.memref_slice %arg10[%add3A_48, %dma_start3A_49] : memref<80x128xi32, #tpu.memory_space<vmem>> -> memref<1x128xi32, #tpu.memory_space<vmem>>
      %dma_start3A_51 = tpu.memref_squeeze %dma_start3A_50 : memref<1x128xi32, #tpu.memory_space<vmem>> -> memref<128xi32, #tpu.memory_space<vmem>>
      %dma_start3A_52 = arith.constant 0 : i32
      %dma_start3A_53 = arith.constant 0 : i32
      %dma_start3A_54 = tpu.memref_slice %arg7[%dma_start3A_52, %dma_start3A_53] : memref<10240x16xf32, #tpu.memory_space<vmem_shared>> -> memref<10240x16xf32, #tpu.memory_space<vmem_shared>>
      tpu.enqueue_indirect_dma source(%dma_start3A_54 : memref<10240x16xf32, #tpu.memory_space<vmem_shared>>) target(%arg13 : memref<128x16xf32, #tpu.memory_space<vmem>>) offsets(%dma_start3A_51 : memref<128xi32, #tpu.memory_space<vmem>>) semaphore(%arg15 : memref<!tpu.dma_semaphore, #tpu.memory_space<semaphore_mem>>)
      "tpu.region"() ({
        %run_scoped3A_69 = tpu.sem_alloc : memref<!tpu.dma_semaphore, #tpu.memory_space<semaphore_mem>>
        %dma_start3A_70 = arith.constant 0 : i32
        %dma_start3A_71 = tpu.memref_slice %arg11[%mul3A_41, %dma_start3A_70] : memref<80x128xi32, #tpu.memory_space<vmem>> -> memref<1x128xi32, #tpu.memory_space<vmem>>
        %dma_start3A_72 = tpu.memref_squeeze %dma_start3A_71 : memref<1x128xi32, #tpu.memory_space<vmem>> -> memref<128xi32, #tpu.memory_space<vmem>>
        %dma_start3A_73 = arith.constant 0 : i32
        %dma_start3A_74 = arith.constant 0 : i32
        %dma_start3A_75 = tpu.memref_slice %arg8[%dma_start3A_73, %dma_start3A_74] : memref<10240x16xf32, #tpu.memory_space<vmem_shared>> -> memref<10240x16xf32, #tpu.memory_space<vmem_shared>>
        tpu.enqueue_indirect_dma source(%arg12 : memref<128x16xf32, #tpu.memory_space<vmem>>) target(%dma_start3A_75 : memref<10240x16xf32, #tpu.memory_space<vmem_shared>>) offsets(%dma_start3A_72 : memref<128xi32, #tpu.memory_space<vmem>>) semaphore(%run_scoped3A_69 : memref<!tpu.dma_semaphore, #tpu.memory_space<semaphore_mem>>) {add = true}
        %dma_wait3A_76 = arith.constant 0 : i32
        %dma_wait3A_77 = tpu.memref_slice %arg11[%mul3A_41, %dma_wait3A_76] : memref<80x128xi32, #tpu.memory_space<vmem>> -> memref<1x128xi32, #tpu.memory_space<vmem>>
        %dma_wait3A_78 = tpu.memref_squeeze %dma_wait3A_77 : memref<1x128xi32, #tpu.memory_space<vmem>> -> memref<128xi32, #tpu.memory_space<vmem>>
        %dma_wait3A_79 = arith.constant 0 : i32
        %dma_wait3A_80 = arith.constant 0 : i32
        %dma_wait3A_81 = tpu.memref_slice %arg8[%dma_wait3A_79, %dma_wait3A_80] : memref<10240x16xf32, #tpu.memory_space<vmem_shared>> -> memref<10240x16xf32, #tpu.memory_space<vmem_shared>>
        tpu.wait_indirect_dma semaphore(%run_scoped3A_69 : memref<!tpu.dma_semaphore, #tpu.memory_space<semaphore_mem>>) src(%arg12 : memref<128x16xf32, #tpu.memory_space<vmem>>) dst(%dma_wait3A_81 : memref<10240x16xf32, #tpu.memory_space<vmem_shared>>)
        tpu.yield
      }) : () -> ()
      %add3A_55 = arith.constant 1 : i32
      %add3A_56 = arith.addi %mul3A_41, %add3A_55 : i32
      %dma_wait3A_57 = arith.constant 0 : i32
      %dma_wait3A_58 = tpu.memref_slice %arg10[%add3A_56, %dma_wait3A_57] : memref<80x128xi32, #tpu.memory_space<vmem>> -> memref<1x128xi32, #tpu.memory_space<vmem>>
      %dma_wait3A_59 = tpu.memref_squeeze %dma_wait3A_58 : memref<1x128xi32, #tpu.memory_space<vmem>> -> memref<128xi32, #tpu.memory_space<vmem>>
      %dma_wait3A_60 = arith.constant 0 : i32
      %dma_wait3A_61 = arith.constant 0 : i32
      %dma_wait3A_62 = tpu.memref_slice %arg7[%dma_wait3A_60, %dma_wait3A_61] : memref<10240x16xf32, #tpu.memory_space<vmem_shared>> -> memref<10240x16xf32, #tpu.memory_space<vmem_shared>>
      tpu.wait_indirect_dma semaphore(%arg15 : memref<!tpu.dma_semaphore, #tpu.memory_space<semaphore_mem>>) src(%dma_wait3A_62 : memref<10240x16xf32, #tpu.memory_space<vmem_shared>>) dst(%arg13 : memref<128x16xf32, #tpu.memory_space<vmem>>)
      %add3A_63 = arith.constant 1 : i32
      %add3A_64 = arith.addi %add3A_39, %add3A_63 : i32
      %lt3A = arith.constant 40 : i32
      %lt3A_65 = arith.cmpi slt, %add3A_64, %lt3A : i32
      %convert_element_type3A = arith.extui %lt3A_65 : i1 to i32
      %cond3A = arith.constant 0 : i32
      %cond3A_66 = arith.cmpi ne, %convert_element_type3A, %cond3A : i32
      scf.if %cond3A_66 {
        %add3A_69 = arith.constant 2 : i32
        %add3A_70 = arith.addi %mul3A_41, %add3A_69 : i32
        %dma_start3A_71 = arith.constant 0 : i32
        %dma_start3A_72 = tpu.memref_slice %arg10[%add3A_70, %dma_start3A_71] : memref<80x128xi32, #tpu.memory_space<vmem>> -> memref<1x128xi32, #tpu.memory_space<vmem>>
        %dma_start3A_73 = tpu.memref_squeeze %dma_start3A_72 : memref<1x128xi32, #tpu.memory_space<vmem>> -> memref<128xi32, #tpu.memory_space<vmem>>
        %dma_start3A_74 = arith.constant 0 : i32
        %dma_start3A_75 = arith.constant 0 : i32
        %dma_start3A_76 = tpu.memref_slice %arg7[%dma_start3A_74, %dma_start3A_75] : memref<10240x16xf32, #tpu.memory_space<vmem_shared>> -> memref<10240x16xf32, #tpu.memory_space<vmem_shared>>
        tpu.enqueue_indirect_dma source(%dma_start3A_76 : memref<10240x16xf32, #tpu.memory_space<vmem_shared>>) target(%arg12 : memref<128x16xf32, #tpu.memory_space<vmem>>) offsets(%dma_start3A_73 : memref<128xi32, #tpu.memory_space<vmem>>) semaphore(%arg14 : memref<!tpu.dma_semaphore, #tpu.memory_space<semaphore_mem>>)
      } else {
      }
      %add3A_67 = arith.constant 1 : i32
      %add3A_68 = arith.addi %mul3A_41, %add3A_67 : i32
      "tpu.region"() ({
        %run_scoped3A_69 = tpu.sem_alloc : memref<!tpu.dma_semaphore, #tpu.memory_space<semaphore_mem>>
        %dma_start3A_70 = arith.constant 0 : i32
        %dma_start3A_71 = tpu.memref_slice %arg11[%add3A_68, %dma_start3A_70] : memref<80x128xi32, #tpu.memory_space<vmem>> -> memref<1x128xi32, #tpu.memory_space<vmem>>
        %dma_start3A_72 = tpu.memref_squeeze %dma_start3A_71 : memref<1x128xi32, #tpu.memory_space<vmem>> -> memref<128xi32, #tpu.memory_space<vmem>>
        %dma_start3A_73 = arith.constant 0 : i32
        %dma_start3A_74 = arith.constant 0 : i32
        %dma_start3A_75 = tpu.memref_slice %arg8[%dma_start3A_73, %dma_start3A_74] : memref<10240x16xf32, #tpu.memory_space<vmem_shared>> -> memref<10240x16xf32, #tpu.memory_space<vmem_shared>>
        tpu.enqueue_indirect_dma source(%arg13 : memref<128x16xf32, #tpu.memory_space<vmem>>) target(%dma_start3A_75 : memref<10240x16xf32, #tpu.memory_space<vmem_shared>>) offsets(%dma_start3A_72 : memref<128xi32, #tpu.memory_space<vmem>>) semaphore(%run_scoped3A_69 : memref<!tpu.dma_semaphore, #tpu.memory_space<semaphore_mem>>) {add = true}
        %dma_wait3A_76 = arith.constant 0 : i32
        %dma_wait3A_77 = tpu.memref_slice %arg11[%add3A_68, %dma_wait3A_76] : memref<80x128xi32, #tpu.memory_space<vmem>> -> memref<1x128xi32, #tpu.memory_space<vmem>>
        %dma_wait3A_78 = tpu.memref_squeeze %dma_wait3A_77 : memref<1x128xi32, #tpu.memory_space<vmem>> -> memref<128xi32, #tpu.memory_space<vmem>>
        %dma_wait3A_79 = arith.constant 0 : i32
        %dma_wait3A_80 = arith.constant 0 : i32
        %dma_wait3A_81 = tpu.memref_slice %arg8[%dma_wait3A_79, %dma_wait3A_80] : memref<10240x16xf32, #tpu.memory_space<vmem_shared>> -> memref<10240x16xf32, #tpu.memory_space<vmem_shared>>
        tpu.wait_indirect_dma semaphore(%run_scoped3A_69 : memref<!tpu.dma_semaphore, #tpu.memory_space<semaphore_mem>>) src(%arg13 : memref<128x16xf32, #tpu.memory_space<vmem>>) dst(%dma_wait3A_81 : memref<10240x16xf32, #tpu.memory_space<vmem_shared>>)
        tpu.yield
      }) : () -> ()
    }
    %scan3A_28 = arith.constant 40 : i32
    %barrier3A_29 = arith.constant 0 : index
    tpu.barrier barrier_id(%barrier3A_29)
    "tpu.region"() ({
      %run_scoped3A_35 = tpu.sem_alloc : memref<!tpu.dma_semaphore, #tpu.memory_space<semaphore_mem>>
      %dma_start3A_36 = arith.constant 0 : i32
      %dma_start3A_37 = tpu.memref_slice %arg8[%mul3A_2, %dma_start3A_36] : memref<10240x16xf32, #tpu.memory_space<vmem_shared>> -> memref<640x16xf32, #tpu.memory_space<vmem_shared>>
      %dma_start3A_38 = arith.constant 0 : i32
      %dma_start3A_39 = tpu.memref_slice %arg8[%mul3A_2, %dma_start3A_38] : memref<10240x16xf32, #tpu.memory_space<vmem_shared>> -> memref<640x16xf32, #tpu.memory_space<vmem_shared>>
      tpu.enqueue_dma source(%dma_start3A_39 : memref<640x16xf32, #tpu.memory_space<vmem_shared>>) target(%arg9 : memref<640x16xf32, #tpu.memory_space<vmem>>) target_semaphore(%run_scoped3A_35 : memref<!tpu.dma_semaphore, #tpu.memory_space<semaphore_mem>>)
      %dma_wait3A = arith.constant 0 : i32
      %dma_wait3A_40 = tpu.memref_slice %arg8[%mul3A_2, %dma_wait3A] : memref<10240x16xf32, #tpu.memory_space<vmem_shared>> -> memref<640x16xf32, #tpu.memory_space<vmem_shared>>
      %dma_wait3A_41 = arith.constant 0 : i32
      %dma_wait3A_42 = tpu.memref_slice %arg8[%mul3A_2, %dma_wait3A_41] : memref<10240x16xf32, #tpu.memory_space<vmem_shared>> -> memref<640x16xf32, #tpu.memory_space<vmem_shared>>
      tpu.wait_dma2 semaphore(%run_scoped3A_35 : memref<!tpu.dma_semaphore, #tpu.memory_space<semaphore_mem>>) src(%dma_wait3A_42 : memref<640x16xf32, #tpu.memory_space<vmem_shared>>) dst(%arg9 : memref<640x16xf32, #tpu.memory_space<vmem>>)
      tpu.yield
    }) : () -> ()
    %scan3A_30 = arith.constant 0 : i32
    %scan3A_31 = arith.constant 640 : i32
    %scan3A_32 = arith.addi %scan3A_30, %scan3A_31 : i32
    %scan3A_33 = arith.constant 1 : i32
    scf.for %scan3A_35 = %scan3A_30 to %scan3A_32 step %scan3A_33  : i32 {
      %mul3A_36 = arith.constant 1 : i32
      %mul3A_37 = arith.muli %scan3A_35, %mul3A_36 : i32
      %add3A_38 = arith.constant 0 : i32
      %add3A_39 = arith.addi %add3A_38, %mul3A_37 : i32
      %broadcast_in_dim3A = vector.broadcast %add3A_39 : i32 to vector<16xi32>
      %gather3A = tpu.vector_load_idx %arg17[%broadcast_in_dim3A] : memref<640xf32, #tpu.memory_space<vmem>>[vector<16xi32>], vector<16xf32>,
      %get3A_40 = arith.index_cast %add3A_39 : i32 to index
      %get3A_41 = arith.constant 0 : index
      %get3A_42 = tpu.vector_load %arg9[%get3A_40, %get3A_41] {strides = array<i32>} : memref<640x16xf32, #tpu.memory_space<vmem>>, vector<16xf32>,
      %mul3A_43 = arith.mulf %get3A_42, %gather3A : vector<16xf32>
      %swap3A = arith.index_cast %add3A_39 : i32 to index
      %swap3A_44 = arith.constant 0 : index
      %swap3A_45 = tpu.vector_load %arg9[%swap3A, %swap3A_44] {strides = array<i32>} : memref<640x16xf32, #tpu.memory_space<vmem>>, vector<16xf32>,
      tpu.vector_store %arg9[%swap3A, %swap3A_44], %mul3A_43 {strides = array<i32>} : memref<640x16xf32, #tpu.memory_space<vmem>>, vector<16xf32>,
    }
    %scan3A_34 = arith.constant 640 : i32
    "tpu.region"() ({
      %run_scoped3A_35 = tpu.sem_alloc : memref<!tpu.dma_semaphore, #tpu.memory_space<semaphore_mem>>
      %dma_start3A_36 = arith.constant 0 : i32
      %dma_start3A_37 = arith.constant 0 : i32
      %dma_start3A_38 = tpu.memref_slice %arg6[%arg0, %dma_start3A_36, %dma_start3A_37] : memref<2x10240x16xf32, #tpu.memory_space<hbm>> -> memref<1x10240x16xf32, #tpu.memory_space<hbm>>
      %dma_start3A_39 = tpu.memref_squeeze %dma_start3A_38 : memref<1x10240x16xf32, #tpu.memory_space<hbm>> -> memref<10240x16xf32, #tpu.memory_space<hbm>>
      %dma_start3A_40 = arith.constant 0 : i32
      %dma_start3A_41 = tpu.memref_slice %dma_start3A_39[%mul3A_2, %dma_start3A_40] : memref<10240x16xf32, #tpu.memory_space<hbm>> -> memref<640x16xf32, #tpu.memory_space<hbm>>
      %dma_start3A_42 = arith.constant 0 : i32
      %dma_start3A_43 = arith.constant 0 : i32
      %dma_start3A_44 = tpu.memref_slice %arg6[%arg0, %dma_start3A_42, %dma_start3A_43] : memref<2x10240x16xf32, #tpu.memory_space<hbm>> -> memref<1x10240x16xf32, #tpu.memory_space<hbm>>
      %dma_start3A_45 = tpu.memref_squeeze %dma_start3A_44 : memref<1x10240x16xf32, #tpu.memory_space<hbm>> -> memref<10240x16xf32, #tpu.memory_space<hbm>>
      %dma_start3A_46 = arith.constant 0 : i32
      %dma_start3A_47 = tpu.memref_slice %dma_start3A_45[%mul3A_2, %dma_start3A_46] : memref<10240x16xf32, #tpu.memory_space<hbm>> -> memref<640x16xf32, #tpu.memory_space<hbm>>
      tpu.enqueue_dma source(%arg9 : memref<640x16xf32, #tpu.memory_space<vmem>>) target(%dma_start3A_47 : memref<640x16xf32, #tpu.memory_space<hbm>>) target_semaphore(%run_scoped3A_35 : memref<!tpu.dma_semaphore, #tpu.memory_space<semaphore_mem>>)
      %dma_wait3A = arith.constant 0 : i32
      %dma_wait3A_48 = arith.constant 0 : i32
      %dma_wait3A_49 = tpu.memref_slice %arg6[%arg0, %dma_wait3A, %dma_wait3A_48] : memref<2x10240x16xf32, #tpu.memory_space<hbm>> -> memref<1x10240x16xf32, #tpu.memory_space<hbm>>
      %dma_wait3A_50 = tpu.memref_squeeze %dma_wait3A_49 : memref<1x10240x16xf32, #tpu.memory_space<hbm>> -> memref<10240x16xf32, #tpu.memory_space<hbm>>
      %dma_wait3A_51 = arith.constant 0 : i32
      %dma_wait3A_52 = tpu.memref_slice %dma_wait3A_50[%mul3A_2, %dma_wait3A_51] : memref<10240x16xf32, #tpu.memory_space<hbm>> -> memref<640x16xf32, #tpu.memory_space<hbm>>
      %dma_wait3A_53 = arith.constant 0 : i32
      %dma_wait3A_54 = arith.constant 0 : i32
      %dma_wait3A_55 = tpu.memref_slice %arg6[%arg0, %dma_wait3A_53, %dma_wait3A_54] : memref<2x10240x16xf32, #tpu.memory_space<hbm>> -> memref<1x10240x16xf32, #tpu.memory_space<hbm>>
      %dma_wait3A_56 = tpu.memref_squeeze %dma_wait3A_55 : memref<1x10240x16xf32, #tpu.memory_space<hbm>> -> memref<10240x16xf32, #tpu.memory_space<hbm>>
      %dma_wait3A_57 = arith.constant 0 : i32
      %dma_wait3A_58 = tpu.memref_slice %dma_wait3A_56[%mul3A_2, %dma_wait3A_57] : memref<10240x16xf32, #tpu.memory_space<hbm>> -> memref<640x16xf32, #tpu.memory_space<hbm>>
      tpu.wait_dma2 semaphore(%run_scoped3A_35 : memref<!tpu.dma_semaphore, #tpu.memory_space<semaphore_mem>>) src(%arg9 : memref<640x16xf32, #tpu.memory_space<vmem>>) dst(%dma_wait3A_58 : memref<640x16xf32, #tpu.memory_space<hbm>>)
      tpu.yield
    }) : () -> ()
    return
  }
}

#map = affine_map<(d0, d1) -> (0, 0)>
#map1 = affine_map<(d0, d1) -> (0, 0, 0, 0)>
#map2 = affine_map<(d0, d1) -> (0, 0, 0)>
module attributes {stable_mosaic.version = 14 : i64} {
  func.func @_layer1_kernel(%arg0: i32, %arg1: i32, %arg2: memref<10240x16xf32, #tpu.memory_space<hbm>>, %arg3: memref<2x10240xf32, #tpu.memory_space<hbm>>, %arg4: memref<2x32x80x128xi32, #tpu.memory_space<hbm>>, %arg5: memref<2x10240x16xf32, #tpu.memory_space<hbm>>, %arg6: memref<10240x16xf32, #tpu.memory_space<vmem_shared>>, %arg7: memref<10240x16xf32, #tpu.memory_space<vmem_shared>>, %arg8: memref<640x16xf32, #tpu.memory_space<vmem>>, %arg9: memref<80x128xi32, #tpu.memory_space<vmem>>, %arg10: memref<80x128xi32, #tpu.memory_space<vmem>>, %arg11: memref<128x16xf32, #tpu.memory_space<vmem>>, %arg12: memref<128x16xf32, #tpu.memory_space<vmem>>, %arg13: memref<!tpu.dma_semaphore, #tpu.memory_space<semaphore_mem>>, %arg14: memref<!tpu.dma_semaphore, #tpu.memory_space<semaphore_mem>>, %arg15: memref<640xf32, #tpu.memory_space<vmem>>) attributes {dimension_semantics = [#tpu.dimension_semantics<core_parallel>, #tpu.dimension_semantics<subcore_parallel>], iteration_bounds = array<i64: 2, 16>, scalar_prefetch = 0 : i64, scratch_operands = 10 : i64, tpu.core_type = #tpu.core_type<sc_vector_subcore>, window_params = [{transform_indices = #map}, {transform_indices = #map}, {transform_indices = #map1}, {transform_indices = #map2}]} {
    %mul3A = arith.constant 16 : i32
    %mul3A_0 = arith.muli %arg0, %mul3A : i32
    %add3A = arith.addi %mul3A_0, %arg1 : i32
    %mul3A_1 = arith.constant 640 : i32
    %mul3A_2 = arith.muli %arg1, %mul3A_1 : i32
    "tpu.region"() ({
      %run_scoped3A_26 = tpu.sem_alloc : memref<!tpu.dma_semaphore, #tpu.memory_space<semaphore_mem>>
      %dma_start3A_27 = arith.constant 0 : i32
      %dma_start3A_28 = tpu.memref_slice %arg2[%mul3A_2, %dma_start3A_27] : memref<10240x16xf32, #tpu.memory_space<hbm>> -> memref<640x16xf32, #tpu.memory_space<hbm>>
      %dma_start3A_29 = arith.constant 0 : i32
      %dma_start3A_30 = tpu.memref_slice %arg2[%mul3A_2, %dma_start3A_29] : memref<10240x16xf32, #tpu.memory_space<hbm>> -> memref<640x16xf32, #tpu.memory_space<hbm>>
      tpu.enqueue_dma source(%dma_start3A_30 : memref<640x16xf32, #tpu.memory_space<hbm>>) target(%arg8 : memref<640x16xf32, #tpu.memory_space<vmem>>) target_semaphore(%run_scoped3A_26 : memref<!tpu.dma_semaphore, #tpu.memory_space<semaphore_mem>>)
      %dma_wait3A = arith.constant 0 : i32
      %dma_wait3A_31 = tpu.memref_slice %arg2[%mul3A_2, %dma_wait3A] : memref<10240x16xf32, #tpu.memory_space<hbm>> -> memref<640x16xf32, #tpu.memory_space<hbm>>
      %dma_wait3A_32 = arith.constant 0 : i32
      %dma_wait3A_33 = tpu.memref_slice %arg2[%mul3A_2, %dma_wait3A_32] : memref<10240x16xf32, #tpu.memory_space<hbm>> -> memref<640x16xf32, #tpu.memory_space<hbm>>
      tpu.wait_dma2 semaphore(%run_scoped3A_26 : memref<!tpu.dma_semaphore, #tpu.memory_space<semaphore_mem>>) src(%dma_wait3A_33 : memref<640x16xf32, #tpu.memory_space<hbm>>) dst(%arg8 : memref<640x16xf32, #tpu.memory_space<vmem>>)
      tpu.yield
    }) : () -> ()
    %run_scoped3A = arith.constant 0 : i32
    "tpu.region"() ({
      %run_scoped3A_26 = tpu.sem_alloc : memref<!tpu.dma_semaphore, #tpu.memory_space<semaphore_mem>>
      %dma_start3A_27 = arith.constant 0 : i32
      %dma_start3A_28 = tpu.memref_slice %arg3[%run_scoped3A, %dma_start3A_27] : memref<2x10240xf32, #tpu.memory_space<hbm>> -> memref<1x10240xf32, #tpu.memory_space<hbm>>
      %dma_start3A_29 = tpu.memref_squeeze %dma_start3A_28 : memref<1x10240xf32, #tpu.memory_space<hbm>> -> memref<10240xf32, #tpu.memory_space<hbm>>
      %dma_start3A_30 = tpu.memref_slice %dma_start3A_29[%mul3A_2] : memref<10240xf32, #tpu.memory_space<hbm>> -> memref<640xf32, #tpu.memory_space<hbm>>
      %dma_start3A_31 = arith.constant 0 : i32
      %dma_start3A_32 = tpu.memref_slice %arg3[%run_scoped3A, %dma_start3A_31] : memref<2x10240xf32, #tpu.memory_space<hbm>> -> memref<1x10240xf32, #tpu.memory_space<hbm>>
      %dma_start3A_33 = tpu.memref_squeeze %dma_start3A_32 : memref<1x10240xf32, #tpu.memory_space<hbm>> -> memref<10240xf32, #tpu.memory_space<hbm>>
      %dma_start3A_34 = tpu.memref_slice %dma_start3A_33[%mul3A_2] : memref<10240xf32, #tpu.memory_space<hbm>> -> memref<640xf32, #tpu.memory_space<hbm>>
      tpu.enqueue_dma source(%dma_start3A_34 : memref<640xf32, #tpu.memory_space<hbm>>) target(%arg15 : memref<640xf32, #tpu.memory_space<vmem>>) target_semaphore(%run_scoped3A_26 : memref<!tpu.dma_semaphore, #tpu.memory_space<semaphore_mem>>)
      %dma_wait3A = arith.constant 0 : i32
      %dma_wait3A_35 = tpu.memref_slice %arg3[%run_scoped3A, %dma_wait3A] : memref<2x10240xf32, #tpu.memory_space<hbm>> -> memref<1x10240xf32, #tpu.memory_space<hbm>>
      %dma_wait3A_36 = tpu.memref_squeeze %dma_wait3A_35 : memref<1x10240xf32, #tpu.memory_space<hbm>> -> memref<10240xf32, #tpu.memory_space<hbm>>
      %dma_wait3A_37 = tpu.memref_slice %dma_wait3A_36[%mul3A_2] : memref<10240xf32, #tpu.memory_space<hbm>> -> memref<640xf32, #tpu.memory_space<hbm>>
      %dma_wait3A_38 = arith.constant 0 : i32
      %dma_wait3A_39 = tpu.memref_slice %arg3[%run_scoped3A, %dma_wait3A_38] : memref<2x10240xf32, #tpu.memory_space<hbm>> -> memref<1x10240xf32, #tpu.memory_space<hbm>>
      %dma_wait3A_40 = tpu.memref_squeeze %dma_wait3A_39 : memref<1x10240xf32, #tpu.memory_space<hbm>> -> memref<10240xf32, #tpu.memory_space<hbm>>
      %dma_wait3A_41 = tpu.memref_slice %dma_wait3A_40[%mul3A_2] : memref<10240xf32, #tpu.memory_space<hbm>> -> memref<640xf32, #tpu.memory_space<hbm>>
      tpu.wait_dma2 semaphore(%run_scoped3A_26 : memref<!tpu.dma_semaphore, #tpu.memory_space<semaphore_mem>>) src(%dma_wait3A_41 : memref<640xf32, #tpu.memory_space<hbm>>) dst(%arg15 : memref<640xf32, #tpu.memory_space<vmem>>)
      tpu.yield
    }) : () -> ()
    %scan3A = arith.constant 0 : i32
    %scan3A_3 = arith.constant 640 : i32
    %scan3A_4 = arith.addi %scan3A, %scan3A_3 : i32
    %scan3A_5 = arith.constant 1 : i32
    scf.for %scan3A_26 = %scan3A to %scan3A_4 step %scan3A_5  : i32 {
      %mul3A_27 = arith.constant 1 : i32
      %mul3A_28 = arith.muli %scan3A_26, %mul3A_27 : i32
      %add3A_29 = arith.constant 0 : i32
      %add3A_30 = arith.addi %add3A_29, %mul3A_28 : i32
      %broadcast_in_dim3A = vector.broadcast %add3A_30 : i32 to vector<16xi32>
      %gather3A = tpu.vector_load_idx %arg15[%broadcast_in_dim3A] : memref<640xf32, #tpu.memory_space<vmem>>[vector<16xi32>], vector<16xf32>,
      %get3A = arith.index_cast %add3A_30 : i32 to index
      %get3A_31 = arith.constant 0 : index
      %get3A_32 = tpu.vector_load %arg8[%get3A, %get3A_31] {strides = array<i32>} : memref<640x16xf32, #tpu.memory_space<vmem>>, vector<16xf32>,
      %mul3A_33 = arith.mulf %get3A_32, %gather3A : vector<16xf32>
      %swap3A = arith.index_cast %add3A_30 : i32 to index
      %swap3A_34 = arith.constant 0 : index
      %swap3A_35 = tpu.vector_load %arg8[%swap3A, %swap3A_34] {strides = array<i32>} : memref<640x16xf32, #tpu.memory_space<vmem>>, vector<16xf32>,
      tpu.vector_store %arg8[%swap3A, %swap3A_34], %mul3A_33 {strides = array<i32>} : memref<640x16xf32, #tpu.memory_space<vmem>>, vector<16xf32>,
    }
    %scan3A_6 = arith.constant 640 : i32
    "tpu.region"() ({
      %run_scoped3A_26 = tpu.sem_alloc : memref<!tpu.dma_semaphore, #tpu.memory_space<semaphore_mem>>
      %dma_start3A_27 = arith.constant 0 : i32
      %dma_start3A_28 = tpu.memref_slice %arg6[%mul3A_2, %dma_start3A_27] : memref<10240x16xf32, #tpu.memory_space<vmem_shared>> -> memref<640x16xf32, #tpu.memory_space<vmem_shared>>
      %dma_start3A_29 = arith.constant 0 : i32
      %dma_start3A_30 = tpu.memref_slice %arg6[%mul3A_2, %dma_start3A_29] : memref<10240x16xf32, #tpu.memory_space<vmem_shared>> -> memref<640x16xf32, #tpu.memory_space<vmem_shared>>
      tpu.enqueue_dma source(%arg8 : memref<640x16xf32, #tpu.memory_space<vmem>>) target(%dma_start3A_30 : memref<640x16xf32, #tpu.memory_space<vmem_shared>>) target_semaphore(%run_scoped3A_26 : memref<!tpu.dma_semaphore, #tpu.memory_space<semaphore_mem>>)
      %dma_wait3A = arith.constant 0 : i32
      %dma_wait3A_31 = tpu.memref_slice %arg6[%mul3A_2, %dma_wait3A] : memref<10240x16xf32, #tpu.memory_space<vmem_shared>> -> memref<640x16xf32, #tpu.memory_space<vmem_shared>>
      %dma_wait3A_32 = arith.constant 0 : i32
      %dma_wait3A_33 = tpu.memref_slice %arg6[%mul3A_2, %dma_wait3A_32] : memref<10240x16xf32, #tpu.memory_space<vmem_shared>> -> memref<640x16xf32, #tpu.memory_space<vmem_shared>>
      tpu.wait_dma2 semaphore(%run_scoped3A_26 : memref<!tpu.dma_semaphore, #tpu.memory_space<semaphore_mem>>) src(%arg8 : memref<640x16xf32, #tpu.memory_space<vmem>>) dst(%dma_wait3A_33 : memref<640x16xf32, #tpu.memory_space<vmem_shared>>)
      tpu.yield
    }) : () -> ()
    %scan3A_7 = arith.constant 0 : i32
    %scan3A_8 = arith.constant 640 : i32
    %scan3A_9 = arith.addi %scan3A_7, %scan3A_8 : i32
    %scan3A_10 = arith.constant 1 : i32
    scf.for %scan3A_26 = %scan3A_7 to %scan3A_9 step %scan3A_10  : i32 {
      %mul3A_27 = arith.constant 1 : i32
      %mul3A_28 = arith.muli %scan3A_26, %mul3A_27 : i32
      %add3A_29 = arith.constant 0 : i32
      %add3A_30 = arith.addi %add3A_29, %mul3A_28 : i32
      %broadcast_in_dim3A = arith.constant 0.000000e+00 : f32
      %broadcast_in_dim3A_31 = vector.broadcast %broadcast_in_dim3A : f32 to vector<16xf32>
      %swap3A = arith.index_cast %add3A_30 : i32 to index
      %swap3A_32 = arith.constant 0 : index
      %swap3A_33 = tpu.vector_load %arg8[%swap3A, %swap3A_32] {strides = array<i32>} : memref<640x16xf32, #tpu.memory_space<vmem>>, vector<16xf32>,
      tpu.vector_store %arg8[%swap3A, %swap3A_32], %broadcast_in_dim3A_31 {strides = array<i32>} : memref<640x16xf32, #tpu.memory_space<vmem>>, vector<16xf32>,
    }
    %scan3A_11 = arith.constant 640 : i32
    "tpu.region"() ({
      %run_scoped3A_26 = tpu.sem_alloc : memref<!tpu.dma_semaphore, #tpu.memory_space<semaphore_mem>>
      %dma_start3A_27 = arith.constant 0 : i32
      %dma_start3A_28 = tpu.memref_slice %arg7[%mul3A_2, %dma_start3A_27] : memref<10240x16xf32, #tpu.memory_space<vmem_shared>> -> memref<640x16xf32, #tpu.memory_space<vmem_shared>>
      %dma_start3A_29 = arith.constant 0 : i32
      %dma_start3A_30 = tpu.memref_slice %arg7[%mul3A_2, %dma_start3A_29] : memref<10240x16xf32, #tpu.memory_space<vmem_shared>> -> memref<640x16xf32, #tpu.memory_space<vmem_shared>>
      tpu.enqueue_dma source(%arg8 : memref<640x16xf32, #tpu.memory_space<vmem>>) target(%dma_start3A_30 : memref<640x16xf32, #tpu.memory_space<vmem_shared>>) target_semaphore(%run_scoped3A_26 : memref<!tpu.dma_semaphore, #tpu.memory_space<semaphore_mem>>)
      %dma_wait3A = arith.constant 0 : i32
      %dma_wait3A_31 = tpu.memref_slice %arg7[%mul3A_2, %dma_wait3A] : memref<10240x16xf32, #tpu.memory_space<vmem_shared>> -> memref<640x16xf32, #tpu.memory_space<vmem_shared>>
      %dma_wait3A_32 = arith.constant 0 : i32
      %dma_wait3A_33 = tpu.memref_slice %arg7[%mul3A_2, %dma_wait3A_32] : memref<10240x16xf32, #tpu.memory_space<vmem_shared>> -> memref<640x16xf32, #tpu.memory_space<vmem_shared>>
      tpu.wait_dma2 semaphore(%run_scoped3A_26 : memref<!tpu.dma_semaphore, #tpu.memory_space<semaphore_mem>>) src(%arg8 : memref<640x16xf32, #tpu.memory_space<vmem>>) dst(%dma_wait3A_33 : memref<640x16xf32, #tpu.memory_space<vmem_shared>>)
      tpu.yield
    }) : () -> ()
    %run_scoped3A_12 = arith.constant 0 : i32
    "tpu.region"() ({
      %run_scoped3A_26 = tpu.sem_alloc : memref<!tpu.dma_semaphore, #tpu.memory_space<semaphore_mem>>
      %dma_start3A_27 = arith.constant 0 : i32
      %dma_start3A_28 = arith.constant 0 : i32
      %dma_start3A_29 = arith.constant 0 : i32
      %dma_start3A_30 = tpu.memref_slice %arg4[%run_scoped3A_12, %dma_start3A_27, %dma_start3A_28, %dma_start3A_29] : memref<2x32x80x128xi32, #tpu.memory_space<hbm>> -> memref<1x32x80x128xi32, #tpu.memory_space<hbm>>
      %dma_start3A_31 = tpu.memref_squeeze %dma_start3A_30 : memref<1x32x80x128xi32, #tpu.memory_space<hbm>> -> memref<32x80x128xi32, #tpu.memory_space<hbm>>
      %dma_start3A_32 = arith.constant 0 : i32
      %dma_start3A_33 = arith.constant 0 : i32
      %dma_start3A_34 = tpu.memref_slice %dma_start3A_31[%add3A, %dma_start3A_32, %dma_start3A_33] : memref<32x80x128xi32, #tpu.memory_space<hbm>> -> memref<1x80x128xi32, #tpu.memory_space<hbm>>
      %dma_start3A_35 = tpu.memref_squeeze %dma_start3A_34 : memref<1x80x128xi32, #tpu.memory_space<hbm>> -> memref<80x128xi32, #tpu.memory_space<hbm>>
      %dma_start3A_36 = arith.constant 0 : i32
      %dma_start3A_37 = arith.constant 0 : i32
      %dma_start3A_38 = arith.constant 0 : i32
      %dma_start3A_39 = tpu.memref_slice %arg4[%run_scoped3A_12, %dma_start3A_36, %dma_start3A_37, %dma_start3A_38] : memref<2x32x80x128xi32, #tpu.memory_space<hbm>> -> memref<1x32x80x128xi32, #tpu.memory_space<hbm>>
      %dma_start3A_40 = tpu.memref_squeeze %dma_start3A_39 : memref<1x32x80x128xi32, #tpu.memory_space<hbm>> -> memref<32x80x128xi32, #tpu.memory_space<hbm>>
      %dma_start3A_41 = arith.constant 0 : i32
      %dma_start3A_42 = arith.constant 0 : i32
      %dma_start3A_43 = tpu.memref_slice %dma_start3A_40[%add3A, %dma_start3A_41, %dma_start3A_42] : memref<32x80x128xi32, #tpu.memory_space<hbm>> -> memref<1x80x128xi32, #tpu.memory_space<hbm>>
      %dma_start3A_44 = tpu.memref_squeeze %dma_start3A_43 : memref<1x80x128xi32, #tpu.memory_space<hbm>> -> memref<80x128xi32, #tpu.memory_space<hbm>>
      tpu.enqueue_dma source(%dma_start3A_44 : memref<80x128xi32, #tpu.memory_space<hbm>>) target(%arg9 : memref<80x128xi32, #tpu.memory_space<vmem>>) target_semaphore(%run_scoped3A_26 : memref<!tpu.dma_semaphore, #tpu.memory_space<semaphore_mem>>)
      %dma_wait3A = arith.constant 0 : i32
      %dma_wait3A_45 = arith.constant 0 : i32
      %dma_wait3A_46 = arith.constant 0 : i32
      %dma_wait3A_47 = tpu.memref_slice %arg4[%run_scoped3A_12, %dma_wait3A, %dma_wait3A_45, %dma_wait3A_46] : memref<2x32x80x128xi32, #tpu.memory_space<hbm>> -> memref<1x32x80x128xi32, #tpu.memory_space<hbm>>
      %dma_wait3A_48 = tpu.memref_squeeze %dma_wait3A_47 : memref<1x32x80x128xi32, #tpu.memory_space<hbm>> -> memref<32x80x128xi32, #tpu.memory_space<hbm>>
      %dma_wait3A_49 = arith.constant 0 : i32
      %dma_wait3A_50 = arith.constant 0 : i32
      %dma_wait3A_51 = tpu.memref_slice %dma_wait3A_48[%add3A, %dma_wait3A_49, %dma_wait3A_50] : memref<32x80x128xi32, #tpu.memory_space<hbm>> -> memref<1x80x128xi32, #tpu.memory_space<hbm>>
      %dma_wait3A_52 = tpu.memref_squeeze %dma_wait3A_51 : memref<1x80x128xi32, #tpu.memory_space<hbm>> -> memref<80x128xi32, #tpu.memory_space<hbm>>
      %dma_wait3A_53 = arith.constant 0 : i32
      %dma_wait3A_54 = arith.constant 0 : i32
      %dma_wait3A_55 = arith.constant 0 : i32
      %dma_wait3A_56 = tpu.memref_slice %arg4[%run_scoped3A_12, %dma_wait3A_53, %dma_wait3A_54, %dma_wait3A_55] : memref<2x32x80x128xi32, #tpu.memory_space<hbm>> -> memref<1x32x80x128xi32, #tpu.memory_space<hbm>>
      %dma_wait3A_57 = tpu.memref_squeeze %dma_wait3A_56 : memref<1x32x80x128xi32, #tpu.memory_space<hbm>> -> memref<32x80x128xi32, #tpu.memory_space<hbm>>
      %dma_wait3A_58 = arith.constant 0 : i32
      %dma_wait3A_59 = arith.constant 0 : i32
      %dma_wait3A_60 = tpu.memref_slice %dma_wait3A_57[%add3A, %dma_wait3A_58, %dma_wait3A_59] : memref<32x80x128xi32, #tpu.memory_space<hbm>> -> memref<1x80x128xi32, #tpu.memory_space<hbm>>
      %dma_wait3A_61 = tpu.memref_squeeze %dma_wait3A_60 : memref<1x80x128xi32, #tpu.memory_space<hbm>> -> memref<80x128xi32, #tpu.memory_space<hbm>>
      tpu.wait_dma2 semaphore(%run_scoped3A_26 : memref<!tpu.dma_semaphore, #tpu.memory_space<semaphore_mem>>) src(%dma_wait3A_61 : memref<80x128xi32, #tpu.memory_space<hbm>>) dst(%arg9 : memref<80x128xi32, #tpu.memory_space<vmem>>)
      tpu.yield
    }) : () -> ()
    %run_scoped3A_13 = arith.constant 1 : i32
    "tpu.region"() ({
      %run_scoped3A_26 = tpu.sem_alloc : memref<!tpu.dma_semaphore, #tpu.memory_space<semaphore_mem>>
      %dma_start3A_27 = arith.constant 0 : i32
      %dma_start3A_28 = arith.constant 0 : i32
      %dma_start3A_29 = arith.constant 0 : i32
      %dma_start3A_30 = tpu.memref_slice %arg4[%run_scoped3A_13, %dma_start3A_27, %dma_start3A_28, %dma_start3A_29] : memref<2x32x80x128xi32, #tpu.memory_space<hbm>> -> memref<1x32x80x128xi32, #tpu.memory_space<hbm>>
      %dma_start3A_31 = tpu.memref_squeeze %dma_start3A_30 : memref<1x32x80x128xi32, #tpu.memory_space<hbm>> -> memref<32x80x128xi32, #tpu.memory_space<hbm>>
      %dma_start3A_32 = arith.constant 0 : i32
      %dma_start3A_33 = arith.constant 0 : i32
      %dma_start3A_34 = tpu.memref_slice %dma_start3A_31[%add3A, %dma_start3A_32, %dma_start3A_33] : memref<32x80x128xi32, #tpu.memory_space<hbm>> -> memref<1x80x128xi32, #tpu.memory_space<hbm>>
      %dma_start3A_35 = tpu.memref_squeeze %dma_start3A_34 : memref<1x80x128xi32, #tpu.memory_space<hbm>> -> memref<80x128xi32, #tpu.memory_space<hbm>>
      %dma_start3A_36 = arith.constant 0 : i32
      %dma_start3A_37 = arith.constant 0 : i32
      %dma_start3A_38 = arith.constant 0 : i32
      %dma_start3A_39 = tpu.memref_slice %arg4[%run_scoped3A_13, %dma_start3A_36, %dma_start3A_37, %dma_start3A_38] : memref<2x32x80x128xi32, #tpu.memory_space<hbm>> -> memref<1x32x80x128xi32, #tpu.memory_space<hbm>>
      %dma_start3A_40 = tpu.memref_squeeze %dma_start3A_39 : memref<1x32x80x128xi32, #tpu.memory_space<hbm>> -> memref<32x80x128xi32, #tpu.memory_space<hbm>>
      %dma_start3A_41 = arith.constant 0 : i32
      %dma_start3A_42 = arith.constant 0 : i32
      %dma_start3A_43 = tpu.memref_slice %dma_start3A_40[%add3A, %dma_start3A_41, %dma_start3A_42] : memref<32x80x128xi32, #tpu.memory_space<hbm>> -> memref<1x80x128xi32, #tpu.memory_space<hbm>>
      %dma_start3A_44 = tpu.memref_squeeze %dma_start3A_43 : memref<1x80x128xi32, #tpu.memory_space<hbm>> -> memref<80x128xi32, #tpu.memory_space<hbm>>
      tpu.enqueue_dma source(%dma_start3A_44 : memref<80x128xi32, #tpu.memory_space<hbm>>) target(%arg10 : memref<80x128xi32, #tpu.memory_space<vmem>>) target_semaphore(%run_scoped3A_26 : memref<!tpu.dma_semaphore, #tpu.memory_space<semaphore_mem>>)
      %dma_wait3A = arith.constant 0 : i32
      %dma_wait3A_45 = arith.constant 0 : i32
      %dma_wait3A_46 = arith.constant 0 : i32
      %dma_wait3A_47 = tpu.memref_slice %arg4[%run_scoped3A_13, %dma_wait3A, %dma_wait3A_45, %dma_wait3A_46] : memref<2x32x80x128xi32, #tpu.memory_space<hbm>> -> memref<1x32x80x128xi32, #tpu.memory_space<hbm>>
      %dma_wait3A_48 = tpu.memref_squeeze %dma_wait3A_47 : memref<1x32x80x128xi32, #tpu.memory_space<hbm>> -> memref<32x80x128xi32, #tpu.memory_space<hbm>>
      %dma_wait3A_49 = arith.constant 0 : i32
      %dma_wait3A_50 = arith.constant 0 : i32
      %dma_wait3A_51 = tpu.memref_slice %dma_wait3A_48[%add3A, %dma_wait3A_49, %dma_wait3A_50] : memref<32x80x128xi32, #tpu.memory_space<hbm>> -> memref<1x80x128xi32, #tpu.memory_space<hbm>>
      %dma_wait3A_52 = tpu.memref_squeeze %dma_wait3A_51 : memref<1x80x128xi32, #tpu.memory_space<hbm>> -> memref<80x128xi32, #tpu.memory_space<hbm>>
      %dma_wait3A_53 = arith.constant 0 : i32
      %dma_wait3A_54 = arith.constant 0 : i32
      %dma_wait3A_55 = arith.constant 0 : i32
      %dma_wait3A_56 = tpu.memref_slice %arg4[%run_scoped3A_13, %dma_wait3A_53, %dma_wait3A_54, %dma_wait3A_55] : memref<2x32x80x128xi32, #tpu.memory_space<hbm>> -> memref<1x32x80x128xi32, #tpu.memory_space<hbm>>
      %dma_wait3A_57 = tpu.memref_squeeze %dma_wait3A_56 : memref<1x32x80x128xi32, #tpu.memory_space<hbm>> -> memref<32x80x128xi32, #tpu.memory_space<hbm>>
      %dma_wait3A_58 = arith.constant 0 : i32
      %dma_wait3A_59 = arith.constant 0 : i32
      %dma_wait3A_60 = tpu.memref_slice %dma_wait3A_57[%add3A, %dma_wait3A_58, %dma_wait3A_59] : memref<32x80x128xi32, #tpu.memory_space<hbm>> -> memref<1x80x128xi32, #tpu.memory_space<hbm>>
      %dma_wait3A_61 = tpu.memref_squeeze %dma_wait3A_60 : memref<1x80x128xi32, #tpu.memory_space<hbm>> -> memref<80x128xi32, #tpu.memory_space<hbm>>
      tpu.wait_dma2 semaphore(%run_scoped3A_26 : memref<!tpu.dma_semaphore, #tpu.memory_space<semaphore_mem>>) src(%dma_wait3A_61 : memref<80x128xi32, #tpu.memory_space<hbm>>) dst(%arg10 : memref<80x128xi32, #tpu.memory_space<vmem>>)
      tpu.yield
    }) : () -> ()
    %barrier3A = arith.constant 0 : index
    tpu.barrier barrier_id(%barrier3A)
    %dma_start3A = arith.constant 0 : i32
    %dma_start3A_14 = arith.constant 0 : i32
    %dma_start3A_15 = tpu.memref_slice %arg9[%dma_start3A, %dma_start3A_14] : memref<80x128xi32, #tpu.memory_space<vmem>> -> memref<1x128xi32, #tpu.memory_space<vmem>>
    %dma_start3A_16 = tpu.memref_squeeze %dma_start3A_15 : memref<1x128xi32, #tpu.memory_space<vmem>> -> memref<128xi32, #tpu.memory_space<vmem>>
    %dma_start3A_17 = arith.constant 0 : i32
    %dma_start3A_18 = arith.constant 0 : i32
    %dma_start3A_19 = tpu.memref_slice %arg6[%dma_start3A_17, %dma_start3A_18] : memref<10240x16xf32, #tpu.memory_space<vmem_shared>> -> memref<10240x16xf32, #tpu.memory_space<vmem_shared>>
    tpu.enqueue_indirect_dma source(%dma_start3A_19 : memref<10240x16xf32, #tpu.memory_space<vmem_shared>>) target(%arg11 : memref<128x16xf32, #tpu.memory_space<vmem>>) offsets(%dma_start3A_16 : memref<128xi32, #tpu.memory_space<vmem>>) semaphore(%arg13 : memref<!tpu.dma_semaphore, #tpu.memory_space<semaphore_mem>>)
    %scan3A_20 = arith.constant 0 : i32
    %scan3A_21 = arith.constant 40 : i32
    %scan3A_22 = arith.addi %scan3A_20, %scan3A_21 : i32
    %scan3A_23 = arith.constant 1 : i32
    scf.for %scan3A_26 = %scan3A_20 to %scan3A_22 step %scan3A_23  : i32 {
      %mul3A_27 = arith.constant 1 : i32
      %mul3A_28 = arith.muli %scan3A_26, %mul3A_27 : i32
      %add3A_29 = arith.constant 0 : i32
      %add3A_30 = arith.addi %add3A_29, %mul3A_28 : i32
      %mul3A_31 = arith.constant 2 : i32
      %mul3A_32 = arith.muli %mul3A_31, %add3A_30 : i32
      %dma_wait3A = arith.constant 0 : i32
      %dma_wait3A_33 = tpu.memref_slice %arg9[%mul3A_32, %dma_wait3A] : memref<80x128xi32, #tpu.memory_space<vmem>> -> memref<1x128xi32, #tpu.memory_space<vmem>>
      %dma_wait3A_34 = tpu.memref_squeeze %dma_wait3A_33 : memref<1x128xi32, #tpu.memory_space<vmem>> -> memref<128xi32, #tpu.memory_space<vmem>>
      %dma_wait3A_35 = arith.constant 0 : i32
      %dma_wait3A_36 = arith.constant 0 : i32
      %dma_wait3A_37 = tpu.memref_slice %arg6[%dma_wait3A_35, %dma_wait3A_36] : memref<10240x16xf32, #tpu.memory_space<vmem_shared>> -> memref<10240x16xf32, #tpu.memory_space<vmem_shared>>
      tpu.wait_indirect_dma semaphore(%arg13 : memref<!tpu.dma_semaphore, #tpu.memory_space<semaphore_mem>>) src(%dma_wait3A_37 : memref<10240x16xf32, #tpu.memory_space<vmem_shared>>) dst(%arg11 : memref<128x16xf32, #tpu.memory_space<vmem>>)
      %add3A_38 = arith.constant 1 : i32
      %add3A_39 = arith.addi %mul3A_32, %add3A_38 : i32
      %dma_start3A_40 = arith.constant 0 : i32
      %dma_start3A_41 = tpu.memref_slice %arg9[%add3A_39, %dma_start3A_40] : memref<80x128xi32, #tpu.memory_space<vmem>> -> memref<1x128xi32, #tpu.memory_space<vmem>>
      %dma_start3A_42 = tpu.memref_squeeze %dma_start3A_41 : memref<1x128xi32, #tpu.memory_space<vmem>> -> memref<128xi32, #tpu.memory_space<vmem>>
      %dma_start3A_43 = arith.constant 0 : i32
      %dma_start3A_44 = arith.constant 0 : i32
      %dma_start3A_45 = tpu.memref_slice %arg6[%dma_start3A_43, %dma_start3A_44] : memref<10240x16xf32, #tpu.memory_space<vmem_shared>> -> memref<10240x16xf32, #tpu.memory_space<vmem_shared>>
      tpu.enqueue_indirect_dma source(%dma_start3A_45 : memref<10240x16xf32, #tpu.memory_space<vmem_shared>>) target(%arg12 : memref<128x16xf32, #tpu.memory_space<vmem>>) offsets(%dma_start3A_42 : memref<128xi32, #tpu.memory_space<vmem>>) semaphore(%arg14 : memref<!tpu.dma_semaphore, #tpu.memory_space<semaphore_mem>>)
      "tpu.region"() ({
        %run_scoped3A_60 = tpu.sem_alloc : memref<!tpu.dma_semaphore, #tpu.memory_space<semaphore_mem>>
        %dma_start3A_61 = arith.constant 0 : i32
        %dma_start3A_62 = tpu.memref_slice %arg10[%mul3A_32, %dma_start3A_61] : memref<80x128xi32, #tpu.memory_space<vmem>> -> memref<1x128xi32, #tpu.memory_space<vmem>>
        %dma_start3A_63 = tpu.memref_squeeze %dma_start3A_62 : memref<1x128xi32, #tpu.memory_space<vmem>> -> memref<128xi32, #tpu.memory_space<vmem>>
        %dma_start3A_64 = arith.constant 0 : i32
        %dma_start3A_65 = arith.constant 0 : i32
        %dma_start3A_66 = tpu.memref_slice %arg7[%dma_start3A_64, %dma_start3A_65] : memref<10240x16xf32, #tpu.memory_space<vmem_shared>> -> memref<10240x16xf32, #tpu.memory_space<vmem_shared>>
        tpu.enqueue_indirect_dma source(%arg11 : memref<128x16xf32, #tpu.memory_space<vmem>>) target(%dma_start3A_66 : memref<10240x16xf32, #tpu.memory_space<vmem_shared>>) offsets(%dma_start3A_63 : memref<128xi32, #tpu.memory_space<vmem>>) semaphore(%run_scoped3A_60 : memref<!tpu.dma_semaphore, #tpu.memory_space<semaphore_mem>>) {add = true}
        %dma_wait3A_67 = arith.constant 0 : i32
        %dma_wait3A_68 = tpu.memref_slice %arg10[%mul3A_32, %dma_wait3A_67] : memref<80x128xi32, #tpu.memory_space<vmem>> -> memref<1x128xi32, #tpu.memory_space<vmem>>
        %dma_wait3A_69 = tpu.memref_squeeze %dma_wait3A_68 : memref<1x128xi32, #tpu.memory_space<vmem>> -> memref<128xi32, #tpu.memory_space<vmem>>
        %dma_wait3A_70 = arith.constant 0 : i32
        %dma_wait3A_71 = arith.constant 0 : i32
        %dma_wait3A_72 = tpu.memref_slice %arg7[%dma_wait3A_70, %dma_wait3A_71] : memref<10240x16xf32, #tpu.memory_space<vmem_shared>> -> memref<10240x16xf32, #tpu.memory_space<vmem_shared>>
        tpu.wait_indirect_dma semaphore(%run_scoped3A_60 : memref<!tpu.dma_semaphore, #tpu.memory_space<semaphore_mem>>) src(%arg11 : memref<128x16xf32, #tpu.memory_space<vmem>>) dst(%dma_wait3A_72 : memref<10240x16xf32, #tpu.memory_space<vmem_shared>>)
        tpu.yield
      }) : () -> ()
      %add3A_46 = arith.constant 1 : i32
      %add3A_47 = arith.addi %mul3A_32, %add3A_46 : i32
      %dma_wait3A_48 = arith.constant 0 : i32
      %dma_wait3A_49 = tpu.memref_slice %arg9[%add3A_47, %dma_wait3A_48] : memref<80x128xi32, #tpu.memory_space<vmem>> -> memref<1x128xi32, #tpu.memory_space<vmem>>
      %dma_wait3A_50 = tpu.memref_squeeze %dma_wait3A_49 : memref<1x128xi32, #tpu.memory_space<vmem>> -> memref<128xi32, #tpu.memory_space<vmem>>
      %dma_wait3A_51 = arith.constant 0 : i32
      %dma_wait3A_52 = arith.constant 0 : i32
      %dma_wait3A_53 = tpu.memref_slice %arg6[%dma_wait3A_51, %dma_wait3A_52] : memref<10240x16xf32, #tpu.memory_space<vmem_shared>> -> memref<10240x16xf32, #tpu.memory_space<vmem_shared>>
      tpu.wait_indirect_dma semaphore(%arg14 : memref<!tpu.dma_semaphore, #tpu.memory_space<semaphore_mem>>) src(%dma_wait3A_53 : memref<10240x16xf32, #tpu.memory_space<vmem_shared>>) dst(%arg12 : memref<128x16xf32, #tpu.memory_space<vmem>>)
      %add3A_54 = arith.constant 1 : i32
      %add3A_55 = arith.addi %add3A_30, %add3A_54 : i32
      %lt3A = arith.constant 40 : i32
      %lt3A_56 = arith.cmpi slt, %add3A_55, %lt3A : i32
      %convert_element_type3A = arith.extui %lt3A_56 : i1 to i32
      %cond3A = arith.constant 0 : i32
      %cond3A_57 = arith.cmpi ne, %convert_element_type3A, %cond3A : i32
      scf.if %cond3A_57 {
        %add3A_60 = arith.constant 2 : i32
        %add3A_61 = arith.addi %mul3A_32, %add3A_60 : i32
        %dma_start3A_62 = arith.constant 0 : i32
        %dma_start3A_63 = tpu.memref_slice %arg9[%add3A_61, %dma_start3A_62] : memref<80x128xi32, #tpu.memory_space<vmem>> -> memref<1x128xi32, #tpu.memory_space<vmem>>
        %dma_start3A_64 = tpu.memref_squeeze %dma_start3A_63 : memref<1x128xi32, #tpu.memory_space<vmem>> -> memref<128xi32, #tpu.memory_space<vmem>>
        %dma_start3A_65 = arith.constant 0 : i32
        %dma_start3A_66 = arith.constant 0 : i32
        %dma_start3A_67 = tpu.memref_slice %arg6[%dma_start3A_65, %dma_start3A_66] : memref<10240x16xf32, #tpu.memory_space<vmem_shared>> -> memref<10240x16xf32, #tpu.memory_space<vmem_shared>>
        tpu.enqueue_indirect_dma source(%dma_start3A_67 : memref<10240x16xf32, #tpu.memory_space<vmem_shared>>) target(%arg11 : memref<128x16xf32, #tpu.memory_space<vmem>>) offsets(%dma_start3A_64 : memref<128xi32, #tpu.memory_space<vmem>>) semaphore(%arg13 : memref<!tpu.dma_semaphore, #tpu.memory_space<semaphore_mem>>)
      } else {
      }
      %add3A_58 = arith.constant 1 : i32
      %add3A_59 = arith.addi %mul3A_32, %add3A_58 : i32
      "tpu.region"() ({
        %run_scoped3A_60 = tpu.sem_alloc : memref<!tpu.dma_semaphore, #tpu.memory_space<semaphore_mem>>
        %dma_start3A_61 = arith.constant 0 : i32
        %dma_start3A_62 = tpu.memref_slice %arg10[%add3A_59, %dma_start3A_61] : memref<80x128xi32, #tpu.memory_space<vmem>> -> memref<1x128xi32, #tpu.memory_space<vmem>>
        %dma_start3A_63 = tpu.memref_squeeze %dma_start3A_62 : memref<1x128xi32, #tpu.memory_space<vmem>> -> memref<128xi32, #tpu.memory_space<vmem>>
        %dma_start3A_64 = arith.constant 0 : i32
        %dma_start3A_65 = arith.constant 0 : i32
        %dma_start3A_66 = tpu.memref_slice %arg7[%dma_start3A_64, %dma_start3A_65] : memref<10240x16xf32, #tpu.memory_space<vmem_shared>> -> memref<10240x16xf32, #tpu.memory_space<vmem_shared>>
        tpu.enqueue_indirect_dma source(%arg12 : memref<128x16xf32, #tpu.memory_space<vmem>>) target(%dma_start3A_66 : memref<10240x16xf32, #tpu.memory_space<vmem_shared>>) offsets(%dma_start3A_63 : memref<128xi32, #tpu.memory_space<vmem>>) semaphore(%run_scoped3A_60 : memref<!tpu.dma_semaphore, #tpu.memory_space<semaphore_mem>>) {add = true}
        %dma_wait3A_67 = arith.constant 0 : i32
        %dma_wait3A_68 = tpu.memref_slice %arg10[%add3A_59, %dma_wait3A_67] : memref<80x128xi32, #tpu.memory_space<vmem>> -> memref<1x128xi32, #tpu.memory_space<vmem>>
        %dma_wait3A_69 = tpu.memref_squeeze %dma_wait3A_68 : memref<1x128xi32, #tpu.memory_space<vmem>> -> memref<128xi32, #tpu.memory_space<vmem>>
        %dma_wait3A_70 = arith.constant 0 : i32
        %dma_wait3A_71 = arith.constant 0 : i32
        %dma_wait3A_72 = tpu.memref_slice %arg7[%dma_wait3A_70, %dma_wait3A_71] : memref<10240x16xf32, #tpu.memory_space<vmem_shared>> -> memref<10240x16xf32, #tpu.memory_space<vmem_shared>>
        tpu.wait_indirect_dma semaphore(%run_scoped3A_60 : memref<!tpu.dma_semaphore, #tpu.memory_space<semaphore_mem>>) src(%arg12 : memref<128x16xf32, #tpu.memory_space<vmem>>) dst(%dma_wait3A_72 : memref<10240x16xf32, #tpu.memory_space<vmem_shared>>)
        tpu.yield
      }) : () -> ()
    }
    %scan3A_24 = arith.constant 40 : i32
    %barrier3A_25 = arith.constant 0 : index
    tpu.barrier barrier_id(%barrier3A_25)
    "tpu.region"() ({
      %run_scoped3A_26 = tpu.sem_alloc : memref<!tpu.dma_semaphore, #tpu.memory_space<semaphore_mem>>
      %dma_start3A_27 = arith.constant 0 : i32
      %dma_start3A_28 = tpu.memref_slice %arg7[%mul3A_2, %dma_start3A_27] : memref<10240x16xf32, #tpu.memory_space<vmem_shared>> -> memref<640x16xf32, #tpu.memory_space<vmem_shared>>
      %dma_start3A_29 = arith.constant 0 : i32
      %dma_start3A_30 = tpu.memref_slice %arg7[%mul3A_2, %dma_start3A_29] : memref<10240x16xf32, #tpu.memory_space<vmem_shared>> -> memref<640x16xf32, #tpu.memory_space<vmem_shared>>
      tpu.enqueue_dma source(%dma_start3A_30 : memref<640x16xf32, #tpu.memory_space<vmem_shared>>) target(%arg8 : memref<640x16xf32, #tpu.memory_space<vmem>>) target_semaphore(%run_scoped3A_26 : memref<!tpu.dma_semaphore, #tpu.memory_space<semaphore_mem>>)
      %dma_wait3A = arith.constant 0 : i32
      %dma_wait3A_31 = tpu.memref_slice %arg7[%mul3A_2, %dma_wait3A] : memref<10240x16xf32, #tpu.memory_space<vmem_shared>> -> memref<640x16xf32, #tpu.memory_space<vmem_shared>>
      %dma_wait3A_32 = arith.constant 0 : i32
      %dma_wait3A_33 = tpu.memref_slice %arg7[%mul3A_2, %dma_wait3A_32] : memref<10240x16xf32, #tpu.memory_space<vmem_shared>> -> memref<640x16xf32, #tpu.memory_space<vmem_shared>>
      tpu.wait_dma2 semaphore(%run_scoped3A_26 : memref<!tpu.dma_semaphore, #tpu.memory_space<semaphore_mem>>) src(%dma_wait3A_33 : memref<640x16xf32, #tpu.memory_space<vmem_shared>>) dst(%arg8 : memref<640x16xf32, #tpu.memory_space<vmem>>)
      tpu.yield
    }) : () -> ()
    "tpu.region"() ({
      %run_scoped3A_26 = tpu.sem_alloc : memref<!tpu.dma_semaphore, #tpu.memory_space<semaphore_mem>>
      %dma_start3A_27 = arith.constant 0 : i32
      %dma_start3A_28 = arith.constant 0 : i32
      %dma_start3A_29 = tpu.memref_slice %arg5[%arg0, %dma_start3A_27, %dma_start3A_28] : memref<2x10240x16xf32, #tpu.memory_space<hbm>> -> memref<1x10240x16xf32, #tpu.memory_space<hbm>>
      %dma_start3A_30 = tpu.memref_squeeze %dma_start3A_29 : memref<1x10240x16xf32, #tpu.memory_space<hbm>> -> memref<10240x16xf32, #tpu.memory_space<hbm>>
      %dma_start3A_31 = arith.constant 0 : i32
      %dma_start3A_32 = tpu.memref_slice %dma_start3A_30[%mul3A_2, %dma_start3A_31] : memref<10240x16xf32, #tpu.memory_space<hbm>> -> memref<640x16xf32, #tpu.memory_space<hbm>>
      %dma_start3A_33 = arith.constant 0 : i32
      %dma_start3A_34 = arith.constant 0 : i32
      %dma_start3A_35 = tpu.memref_slice %arg5[%arg0, %dma_start3A_33, %dma_start3A_34] : memref<2x10240x16xf32, #tpu.memory_space<hbm>> -> memref<1x10240x16xf32, #tpu.memory_space<hbm>>
      %dma_start3A_36 = tpu.memref_squeeze %dma_start3A_35 : memref<1x10240x16xf32, #tpu.memory_space<hbm>> -> memref<10240x16xf32, #tpu.memory_space<hbm>>
      %dma_start3A_37 = arith.constant 0 : i32
      %dma_start3A_38 = tpu.memref_slice %dma_start3A_36[%mul3A_2, %dma_start3A_37] : memref<10240x16xf32, #tpu.memory_space<hbm>> -> memref<640x16xf32, #tpu.memory_space<hbm>>
      tpu.enqueue_dma source(%arg8 : memref<640x16xf32, #tpu.memory_space<vmem>>) target(%dma_start3A_38 : memref<640x16xf32, #tpu.memory_space<hbm>>) target_semaphore(%run_scoped3A_26 : memref<!tpu.dma_semaphore, #tpu.memory_space<semaphore_mem>>)
      %dma_wait3A = arith.constant 0 : i32
      %dma_wait3A_39 = arith.constant 0 : i32
      %dma_wait3A_40 = tpu.memref_slice %arg5[%arg0, %dma_wait3A, %dma_wait3A_39] : memref<2x10240x16xf32, #tpu.memory_space<hbm>> -> memref<1x10240x16xf32, #tpu.memory_space<hbm>>
      %dma_wait3A_41 = tpu.memref_squeeze %dma_wait3A_40 : memref<1x10240x16xf32, #tpu.memory_space<hbm>> -> memref<10240x16xf32, #tpu.memory_space<hbm>>
      %dma_wait3A_42 = arith.constant 0 : i32
      %dma_wait3A_43 = tpu.memref_slice %dma_wait3A_41[%mul3A_2, %dma_wait3A_42] : memref<10240x16xf32, #tpu.memory_space<hbm>> -> memref<640x16xf32, #tpu.memory_space<hbm>>
      %dma_wait3A_44 = arith.constant 0 : i32
      %dma_wait3A_45 = arith.constant 0 : i32
      %dma_wait3A_46 = tpu.memref_slice %arg5[%arg0, %dma_wait3A_44, %dma_wait3A_45] : memref<2x10240x16xf32, #tpu.memory_space<hbm>> -> memref<1x10240x16xf32, #tpu.memory_space<hbm>>
      %dma_wait3A_47 = tpu.memref_squeeze %dma_wait3A_46 : memref<1x10240x16xf32, #tpu.memory_space<hbm>> -> memref<10240x16xf32, #tpu.memory_space<hbm>>
      %dma_wait3A_48 = arith.constant 0 : i32
      %dma_wait3A_49 = tpu.memref_slice %dma_wait3A_47[%mul3A_2, %dma_wait3A_48] : memref<10240x16xf32, #tpu.memory_space<hbm>> -> memref<640x16xf32, #tpu.memory_space<hbm>>
      tpu.wait_dma2 semaphore(%run_scoped3A_26 : memref<!tpu.dma_semaphore, #tpu.memory_space<semaphore_mem>>) src(%arg8 : memref<640x16xf32, #tpu.memory_space<vmem>>) dst(%dma_wait3A_49 : memref<640x16xf32, #tpu.memory_space<hbm>>)
      tpu.yield
    }) : () -> ()
    return
  }
}

module attributes {stable_mosaic.version = 14 : i64} {
  func.func @_mm1a_body(%arg0: i32, %arg1: memref<1024x128xf32, #tpu.memory_space<vmem>>, %arg2: memref<128x16xf32, #tpu.memory_space<vmem>>, %arg3: memref<1024x16xf32, #tpu.memory_space<vmem>>) attributes {dimension_semantics = [#tpu.dimension_semantics<arbitrary>], iteration_bounds = array<i64: 10>, scalar_prefetch = 0 : i64, scratch_operands = 0 : i64, tpu.core_type = #tpu.core_type<tc>, window_params = [{transform_indices = @transform_0, window_bounds = array<i64: 1024, 128>}, {pipeline_mode = #tpu.pipeline_mode<synchronous>, transform_indices = @transform_1, window_bounds = array<i64: 128, 16>}, {transform_indices = @transform_2, window_bounds = array<i64: 1024, 16>}]} {
    %get3A = arith.constant 0 : index
    %get3A_0 = arith.constant 0 : index
    %get3A_1 = vector.load %arg1[%get3A, %get3A_0] : memref<1024x128xf32, #tpu.memory_space<vmem>>, vector<1024x128xf32>
    %get3A_2 = arith.constant 0 : index
    %get3A_3 = arith.constant 0 : index
    %get3A_4 = vector.load %arg2[%get3A_2, %get3A_3] : memref<128x16xf32, #tpu.memory_space<vmem>>, vector<128x16xf32>
    %dot_general3A = arith.constant dense<0.000000e+00> : vector<1024x16xf32>
    %dot_general3A_5 = tpu.matmul %get3A_1, %get3A_4, %dot_general3A {dimension_numbers = #tpu.dot_dimension_numbers<[1], [0], [0], [1], [0, 0, 1, 1], [], []>, transpose_lhs_hint = false} : vector<1024x128xf32>, vector<128x16xf32>, vector<1024x16xf32> -> vector<1024x16xf32>
    %swap3A = arith.constant 0 : index
    %swap3A_6 = arith.constant 0 : index
    %swap3A_7 = vector.load %arg3[%swap3A, %swap3A_6] : memref<1024x16xf32, #tpu.memory_space<vmem>>, vector<1024x16xf32>
    tpu.vector_store %arg3[%swap3A, %swap3A_6], %dot_general3A_5 {strides = array<i32>} : memref<1024x16xf32, #tpu.memory_space<vmem>>, vector<1024x16xf32>,
    return
  }
  func.func @transform_0(%arg0: i32) -> (i32, i32) {
    %c0_i32 = arith.constant 0 : i32
    %c0_i32_0 = arith.constant 0 : i32
    return %arg0, %c0_i32 : i32, i32
  }
  func.func @transform_1(%arg0: i32) -> (i32, i32) {
    %c0_i32 = arith.constant 0 : i32
    %c0_i32_0 = arith.constant 0 : i32
    %c0_i32_1 = arith.constant 0 : i32
    return %c0_i32, %c0_i32_0 : i32, i32
  }
  func.func @transform_2(%arg0: i32) -> (i32, i32) {
    %c0_i32 = arith.constant 0 : i32
    %c0_i32_0 = arith.constant 0 : i32
    return %arg0, %c0_i32 : i32, i32
  }
}

module attributes {stable_mosaic.version = 14 : i64} {
  func.func @_normk_body(%arg0: i32, %arg1: memref<2x2048xf32, #tpu.memory_space<vmem>>, %arg2: memref<2x2048xf32, #tpu.memory_space<vmem>>) attributes {dimension_semantics = [#tpu.dimension_semantics<arbitrary>], iteration_bounds = array<i64: 5>, scalar_prefetch = 0 : i64, scratch_operands = 0 : i64, tpu.core_type = #tpu.core_type<tc>, window_params = [{transform_indices = @transform_0, window_bounds = array<i64: 2, 2048>}, {transform_indices = @transform_1, window_bounds = array<i64: 2, 2048>}]} {
    %get3A = arith.constant 0 : index
    %get3A_0 = arith.constant 0 : index
    %get3A_1 = vector.load %arg1[%get3A, %get3A_0] : memref<2x2048xf32, #tpu.memory_space<vmem>>, vector<2x2048xf32>
    %gt3A = arith.constant 0.000000e+00 : f32
    %gt3A_2 = vector.broadcast %gt3A : f32 to vector<2x2048xf32>
    %gt3A_3 = arith.cmpf ogt, %get3A_1, %gt3A_2 : vector<2x2048xf32>
    %get3A_4 = arith.constant 0 : index
    %get3A_5 = arith.constant 0 : index
    %get3A_6 = vector.load %arg1[%get3A_4, %get3A_5] : memref<2x2048xf32, #tpu.memory_space<vmem>>, vector<2x2048xf32>
    %rsqrt3A = math.rsqrt %get3A_6 : vector<2x2048xf32>
    %jit3A = arith.constant 1.000000e+00 : f32
    %broadcast_in_dim3A = vector.broadcast %jit3A : f32 to vector<2x2048xf32>
    %select_n3A = arith.select %gt3A_3, %rsqrt3A, %broadcast_in_dim3A : vector<2x2048xi1>, vector<2x2048xf32>
    %swap3A = arith.constant 0 : index
    %swap3A_7 = arith.constant 0 : index
    %swap3A_8 = vector.load %arg2[%swap3A, %swap3A_7] : memref<2x2048xf32, #tpu.memory_space<vmem>>, vector<2x2048xf32>
    tpu.vector_store %arg2[%swap3A, %swap3A_7], %select_n3A {strides = array<i32>} : memref<2x2048xf32, #tpu.memory_space<vmem>>, vector<2x2048xf32>,
    return
  }
  func.func @transform_0(%arg0: i32) -> (i32, i32) {
    %c0_i32 = arith.constant 0 : i32
    %c0_i32_0 = arith.constant 0 : i32
    return %c0_i32, %arg0 : i32, i32
  }
  func.func @transform_1(%arg0: i32) -> (i32, i32) {
    %c0_i32 = arith.constant 0 : i32
    %c0_i32_0 = arith.constant 0 : i32
    return %c0_i32, %arg0 : i32, i32
  }
}

module attributes {stable_mosaic.version = 14 : i64} {
  func.func @_mm2_body(%arg0: i32, %arg1: memref<1x1000x16xf32, #tpu.memory_space<vmem>>, %arg2: memref<1x1000x16xf32, #tpu.memory_space<vmem>>, %arg3: memref<16x128xf32, #tpu.memory_space<vmem>>, %arg4: memref<1x128xf32, #tpu.memory_space<vmem>>, %arg5: memref<1000x128xf32, #tpu.memory_space<vmem>>) attributes {dimension_semantics = [#tpu.dimension_semantics<arbitrary>], iteration_bounds = array<i64: 10>, scalar_prefetch = 0 : i64, scratch_operands = 0 : i64, tpu.core_type = #tpu.core_type<tc>, window_params = [{transform_indices = @transform_0, window_bounds = array<i64: 1, 1000, 16>}, {transform_indices = @transform_1, window_bounds = array<i64: 1, 1000, 16>}, {pipeline_mode = #tpu.pipeline_mode<synchronous>, transform_indices = @transform_2, window_bounds = array<i64: 16, 128>}, {pipeline_mode = #tpu.pipeline_mode<synchronous>, transform_indices = @transform_3, window_bounds = array<i64: 1, 128>}, {transform_indices = @transform_4, window_bounds = array<i64: 1000, 128>}]} {
    %get3A = arith.constant 0 : index
    %get3A_0 = arith.constant 0 : index
    %get3A_1 = arith.constant 0 : index
    %get3A_2 = vector.load %arg1[%get3A, %get3A_0, %get3A_1] : memref<1x1000x16xf32, #tpu.memory_space<vmem>>, vector<1x1000x16xf32>
    %get3A_3 = vector.shape_cast %get3A_2 : vector<1x1000x16xf32> to vector<1000x16xf32>
    %get3A_4 = arith.constant 0 : index
    %get3A_5 = arith.constant 0 : index
    %get3A_6 = arith.constant 0 : index
    %get3A_7 = vector.load %arg2[%get3A_4, %get3A_5, %get3A_6] : memref<1x1000x16xf32, #tpu.memory_space<vmem>>, vector<1x1000x16xf32>
    %get3A_8 = vector.shape_cast %get3A_7 : vector<1x1000x16xf32> to vector<1000x16xf32>
    %add3A = arith.addf %get3A_3, %get3A_8 : vector<1000x16xf32>
    %get3A_9 = arith.constant 0 : index
    %get3A_10 = arith.constant 0 : index
    %get3A_11 = vector.load %arg3[%get3A_9, %get3A_10] : memref<16x128xf32, #tpu.memory_space<vmem>>, vector<16x128xf32>
    %dot_general3A = arith.constant dense<0.000000e+00> : vector<1000x128xf32>
    %dot_general3A_12 = tpu.matmul %add3A, %get3A_11, %dot_general3A {dimension_numbers = #tpu.dot_dimension_numbers<[1], [0], [0], [1], [0, 0, 1, 1], [], []>, transpose_lhs_hint = false} : vector<1000x16xf32>, vector<16x128xf32>, vector<1000x128xf32> -> vector<1000x128xf32>
    %get3A_13 = arith.constant 0 : index
    %get3A_14 = arith.constant 0 : index
    %get3A_15 = vector.load %arg4[%get3A_13, %get3A_14] : memref<1x128xf32, #tpu.memory_space<vmem>>, vector<1x128xf32>
    %add3A_16 = vector.broadcast %get3A_15 : vector<1x128xf32> to vector<1000x128xf32>
    %add3A_17 = arith.addf %dot_general3A_12, %add3A_16 : vector<1000x128xf32>
    %swap3A = arith.constant 0 : index
    %swap3A_18 = arith.constant 0 : index
    %swap3A_19 = vector.load %arg5[%swap3A, %swap3A_18] : memref<1000x128xf32, #tpu.memory_space<vmem>>, vector<1000x128xf32>
    tpu.vector_store %arg5[%swap3A, %swap3A_18], %add3A_17 {strides = array<i32>} : memref<1000x128xf32, #tpu.memory_space<vmem>>, vector<1000x128xf32>,
    return
  }
  func.func @transform_0(%arg0: i32) -> (i32, i32, i32) {
    %c0_i32 = arith.constant 0 : i32
    %c0_i32_0 = arith.constant 0 : i32
    %c0_i32_1 = arith.constant 0 : i32
    return %c0_i32, %arg0, %c0_i32_0 : i32, i32, i32
  }
  func.func @transform_1(%arg0: i32) -> (i32, i32, i32) {
    %c1_i32 = arith.constant 1 : i32
    %c0_i32 = arith.constant 0 : i32
    %c0_i32_0 = arith.constant 0 : i32
    return %c1_i32, %arg0, %c0_i32 : i32, i32, i32
  }
  func.func @transform_2(%arg0: i32) -> (i32, i32) {
    %c0_i32 = arith.constant 0 : i32
    %c0_i32_0 = arith.constant 0 : i32
    %c0_i32_1 = arith.constant 0 : i32
    return %c0_i32, %c0_i32_0 : i32, i32
  }
  func.func @transform_3(%arg0: i32) -> (i32, i32) {
    %c0_i32 = arith.constant 0 : i32
    %c0_i32_0 = arith.constant 0 : i32
    %c0_i32_1 = arith.constant 0 : i32
    return %c0_i32, %c0_i32_0 : i32, i32
  }
  func.func @transform_4(%arg0: i32) -> (i32, i32) {
    %c0_i32 = arith.constant 0 : i32
    %c0_i32_0 = arith.constant 0 : i32
    return %arg0, %c0_i32 : i32, i32
  }
}

</mosaic_0001>

<sc_bundles>
// kernel: kernel.11.cloned.1.call-start
scs
__scs_entry_jumppad:
0x0: {  	(pc) =	sbr.rel $0x88, $3  }
0x1: {  	(tag) =	ssettag $0x0;
	lr =	simm.s32 $0x1  }
0x2: {  	[smem:$0x3F9B] =	sst lr;
	_ =	strace $0xD0000000  }
0x3: {  	_ = 	snop  }
0x4: {  	_ = 	snop  }
0x5: {  	_ = 	snop  }
0x6: {  	_ = 	snop  }
0x7: {  	_ = 	snop  }
__scs_overlays_trampoline_lowered:
0x8: {  	[smem:$0x3FAA] =	sst s0  }
0x9: {  	[smem:$0x3FAB] =	sst s1  }
0xa: {  	[smem:$0x3FAC] =	sst s2  }
0xb: {  	[smem:$0x3FAD] =	sst s3  }
0xc: {  	[smem:$0x3FAE] =	sst s4  }
0xd: {  	[smem:$0x3FAF] =	sst s5  }
0xe: {  	[smem:$0x3FB0] =	sst s6  }
0xf: {  	[smem:$0x3FB1] =	sst s7  }
0x10: {  	[smem:$0x3FB2] =	sst s8  }
0x11: {  	[smem:$0x3FB3] =	sst s9;
	s0 =	simm.s32 @!p0 $0x0  }
0x12: {  	s1 =	sld [smem:$0x3F99];
	s0 =	simm.s32 @p0 $0x1  }
0x13: {  	[smem:$0x3FB4] =	sst s0;
	s0 =	simm.s32 @!p1 $0x0  }
0x14: {  	s2 =	sld [smem:$0x3F98];
	s0 =	simm.s32 @p1 $0x1  }
0x15: {  	[smem:$0x3FB5] =	sst s0;
	s0 =	simm.s32 @!p2 $0x0  }
0x16: {  	s3 =	sld [smem:$0x3FDB];
	s0 =	simm.s32 @p2 $0x1  }
0x17: {  	s4 =	simm.s32 $0x1BF5;
	[smem:$0x3FB7] =	sst s0  }
0x18: {  	s0 =	sld [smem:$0x3F9A];
	_ =	swait.ge [sflag:s4], $0x0  }
0x19: {  	s7 =	sld [smem:$0x3F9B]  }
0x1a: {  	s8 =	sadd.s32 $0xFFFFE003, lr  }
0x1b: {  	s9 =	sadd.s32 $0xFFFFFEF7, lr;
	s5 =	simm.s32 $0xFFFFFFFF;
	p2 =	slt.u32 s8, $0xFFFFF086  }
0x1c: {  	p1 =	slt.u32 s9, $0xF7A;
	s5 =	simm.s32 @!p2 $0x0  }
0x1d: {  	s5 =	simm.s32 @p1 $0x1;
	p0 =	seq.s32 s7, s2  }
0x1e: {  	s7 =	smul.u32 @!p0 $0xF7A, s2;
	p2 =	seq.s32 @!p0 s5, $0x0  }
0x1f: {  	s9 =	smul.u32 $0xF7A, s1;
	s8 =	simm.s32 @!p0 $0x1BF5;
	p2 =	por !p2, p0  }
0x20: {  	[sflag:s8] =	ssyncset.s32 @!p0 $0xFFFFF086;
	s6 =	sadd.s32 @!p0 s3, s7;
	s7 =	simm.s32 @!p0 $0x108  }
0x21: {  	s3 =	sadd.s32 s3, s9;
	s6 =	sadd.s32 @!p0 $0x88, s6;
	s7 =	simm.s32 @p2 $0x1082  }
0x22: {  	[simem:s7], [sflag:s8] =	dma.local @!p0 [hbm:s6], $0xF7A  }
0x23: {  	s9 =	sor.u32 $0xD0000000, s2;
	s6 =	simm.s32 $0x108;
	_ =	swait.ge @!p0 [sflag:s8], $0x0  }
0x24: {  	s3 =	sadd.s32 $0x88, s3;
	s6 =	simm.s32 @!p1 $0x1082;
	[sflag:s4] =	ssyncset.s32 $0xFFFFF086  }
0x25: {  	[simem:s6], [sflag:s4] =	dma.local [hbm:s3], $0xF7A  }
0x26: {  	[smem:$0x3F9B] =	sst s1;
	(tag) =	ssettag s2;
	_ =	strace s9  }
0x27: {  	s1 =	sld [smem:$0x3FAB]  }
0x28: {  	s2 =	sld [smem:$0x3FAC]  }
0x29: {  	s4 =	sld [smem:$0x3FAE]  }
0x2a: {  	p0 =	seq.s32 s5, $0x0;
	s5 =	sld [smem:$0x3FAF]  }
0x2b: {  	s6 =	sld [smem:$0x3FB0]  }
0x2c: {  	s7 =	sld [smem:$0x3FB1]  }
0x2d: {  	s3 =	simm.s32 $0x108;
	s8 =	sld [smem:$0x3FB2]  }
0x2e: {  	s3 =	simm.s32 @!p0 $0x1082;
	s9 =	sld [smem:$0x3FB3]  }
0x2f: {  	lr =	sadd.s32 s0, s3;
	s0 =	sld [smem:$0x3FAA]  }
0x30: {  	s3 =	sld [smem:$0x3FAD]  }
0x31: {  	[smem:$0x3FB6] =	sst s10  }
0x32: {  	s10 =	sld [smem:$0x3FB4];
	_ =	sdelay $0x3  }
0x33: {  	p0 =	seq.s32 s10, $0x1;
	s10 =	sld [smem:$0x3FB6];
	_ =	sdelay $0x3  }
0x34: {  	[smem:$0x3FB6] =	sst s10  }
0x35: {  	s10 =	sld [smem:$0x3FB5];
	_ =	sdelay $0x3  }
0x36: {  	p1 =	seq.s32 s10, $0x1;
	s10 =	sld [smem:$0x3FB6];
	_ =	sdelay $0x3  }
0x37: {  	[smem:$0x3FB6] =	sst s10  }
0x38: {  	s10 =	sld [smem:$0x3FB7]  }
0x39: {  	_ = 	snop;
	(pc) =	sbr.ind lr, $3  }
0x3a: {  	_ = 	snop  }
0x3b: {  	_ = 	snop  }
0x3c: {  	p2 =	seq.s32 s10, $0x1;
	s10 =	sld [smem:$0x3FB6]  }
0x3d: {  	_ =	shalt  }
0x3e: {  	_ =	shalt  }
0x3f: {  	_ =	shalt  }
0x40: {  	_ =	shalt  }
0x41: {  	_ =	shalt  }
0x42: {  	_ =	shalt  }
0x43: {  	_ =	shalt  }
0x44: {  	_ =	shalt  }
0x45: {  	_ =	shalt  }
0x46: {  	_ =	shalt  }
0x47: {  	_ =	shalt  }
0x48: {  	_ =	shalt  }
0x49: {  	_ =	shalt  }
0x4a: {  	_ =	shalt  }
0x4b: {  	_ =	shalt  }
0x4c: {  	_ =	shalt  }
0x4d: {  	_ =	shalt  }
0x4e: {  	_ =	shalt  }
0x4f: {  	_ =	shalt  }
0x50: {  	_ =	shalt  }
0x51: {  	_ =	shalt  }
0x52: {  	_ =	shalt  }
0x53: {  	_ =	shalt  }
0x54: {  	_ =	shalt  }
0x55: {  	_ =	shalt  }
0x56: {  	_ =	shalt  }
0x57: {  	_ =	shalt  }
0x58: {  	_ =	shalt  }
0x59: {  	_ =	shalt  }
0x5a: {  	_ =	shalt  }
0x5b: {  	_ =	shalt  }
0x5c: {  	_ =	shalt  }
0x5d: {  	_ =	shalt  }
0x5e: {  	_ =	shalt  }
0x5f: {  	_ =	shalt  }
0x60: {  	_ =	shalt  }
0x61: {  	_ =	shalt  }
0x62: {  	_ =	shalt  }
0x63: {  	_ =	shalt  }
0x64: {  	_ =	shalt  }
0x65: {  	_ =	shalt  }
0x66: {  	_ =	shalt  }
0x67: {  	_ =	shalt  }
0x68: {  	_ =	shalt  }
0x69: {  	_ =	shalt  }
0x6a: {  	_ =	shalt  }
0x6b: {  	_ =	shalt  }
0x6c: {  	_ =	shalt  }
0x6d: {  	_ =	shalt  }
0x6e: {  	_ =	shalt  }
0x6f: {  	_ =	shalt  }
0x70: {  	_ =	shalt  }
0x71: {  	_ =	shalt  }
0x72: {  	_ =	shalt  }
0x73: {  	_ =	shalt  }
0x74: {  	_ =	shalt  }
0x75: {  	_ =	shalt  }
0x76: {  	_ =	shalt  }
0x77: {  	_ =	shalt  }
0x78: {  	_ =	shalt  }
0x79: {  	_ =	shalt  }
0x7a: {  	_ =	shalt  }
0x7b: {  	_ =	shalt  }
0x7c: {  	_ =	shalt  }
0x7d: {  	_ =	shalt  }
0x7e: {  	_ =	shalt  }
0x7f: {  	_ =	shalt  }
0x80: {  	_ =	shalt  }
0x81: {  	_ =	shalt  }
0x82: {  	_ =	shalt  }
0x83: {  	_ =	shalt  }
0x84: {  	_ =	shalt  }
0x85: {  	_ =	shalt  }
0x86: {  	_ =	shalt  }
0x87: {  	_ =	shalt  }
.Lfunc_end0:
.L_simem_size_0:
called_computation.1_lowered:
.L_overlay_start_0:
0x88: {  	s2 =	sld [smem:$0x3FD9]  }
0x89: {  	s3 =	sld [smem:$0x3FFE];
	_ =	sdelay $0x1  }
0x8a: {  	s1 =	srdreg.scid  }
0x8b: {  	s0 =	sand.u32 $0x1, s1  }
0x8c: {  	s17 =	sshll.u32 s0, $0xA;
	s2 =	sadd.s32 s3, s2  }
0x8d: {  	s2 =	sadd.s32 s2, s17  }
0x8e: {  	[smem:$0x3FC2] =	sst s2  }
0x8f: {  	_ = 	snop  }
0x90: {  	s2 =	sld [smem:$0x3FD0];
	(tm) =	ssettm $0x1  }
0x91: {  	s18 =	sld [smem:$0x3FFB];
	_ =	sdelay $0x3  }
0x92: {  	_ =	strace s18  }
0x93: {  	s3 =	sld [smem:$0x3FFC];
	_ =	sdelay $0x3  }
0x94: {  	_ =	strace s3  }
0x95: {  	s3 =	sld [smem:$0x3FFD];
	_ =	sdelay $0x3  }
0x96: {  	_ =	strace s3  }
0x97: {  	_ =	strace $0x8FFFFFFF  }
0x98: {  	s19 =	sld [smem:$0x3FDB];
	_ =	sdelay $0x1  }
0x99: {  	s4 =	simm.s32 $_scs_section_size  }
0x9a: {  	s5 =	simm.s32 $_size__tile_overlayer_lowered;
	s6 =	simm.s32 $_tile_overlayer_lowered  }
0x9b: {  	s22 =	simm.s32 $0x1BFF;
	s21 =	sshll.u32 s6, $0x1;
	s3 =	sadd.s32 s4, s19  }
0x9c: {  	s7 =	simm.s32 $0x0;
	s20 =	sshll.u32 s5, $0x1;
	s5 =	sadd.s32 s21, s3  }
0x9d: {  	[timem:s7], [sflag:s22] =	dma.local [hbm:s5], s20  }
0x9e: {  	_ =	swait.ge [sflag:s22], s20  }
0x9f: {  	s4 =	ssub.s32 $0x0, s20;
	[sflag:s22] =	ssyncset.done $0x0  }
0xa0: {  	[sflag:s22] =	ssyncadd.s32 s4;
	_ =	sdelay $0x1  }
0xa1: {  	s23 =	simm.s32 $0x1B8B  }
0xa2: {  	_ =	swait.ge [sflag:s23], $0x1  }
0xa3: {  	[sflag:s23] =	ssyncset.done $0x0  }
0xa4: {  	s25 =	simm.s32 $0x1B8E;
	s24 =	sld [smem:$0x3FFE];
	[sflag:s23] =	ssyncadd.s32 $0xFFFFFFFF  }
0xa5: {  	s26 =	simm.s32 $execute0_lowered;
	[smem:$0x3FD2] =	sst s25  }
0xa6: {  	s5 =	sshll.u32 s26, $0x1;
	_ =	strace $0x80000049;
	[dreg:$0x1] =	wrdreg $0xFFFFFFFF  }
0xa7: {  	s28 =	simm.s32 $_size_execute0_lowered;
	s3 =	sadd.s32 s3, s5;
	[dreg:$0x0] =	wrdreg $0x0  }
0xa8: {  	s5 =	sshll.u32 s28, $0x1;
	[dreg:$0x2] =	wrdreg s3  }
0xa9: {  	[dreg:$0x3] =	wrdreg s5  }
0xaa: {  	[dreg:$0x4] =	wrdreg $0xC0  }
0xab: {  	_ =	task [dreg:s7], $0x5FFFF  }
0xac: {  	[dreg:$0x1] =	wrdreg $0xFFFFFFFF  }
0xad: {  	[dreg:$0x0] =	wrdreg $0x60  }
0xae: {  	[dreg:$0x2] =	wrdreg s24  }
0xaf: {  	[dreg:$0x3] =	wrdreg s2  }
0xb0: {  	[dreg:$0x4] =	wrdreg $0x0  }
0xb1: {  	[dreg:$0x5] =	wrdreg $0x28000  }
0xb2: {  	[dreg:$0x6] =	wrdreg $0x9  }
0xb3: {  	_ =	task.clear_ibuf [dreg:s7], $0x7FFFF;
	_ =	strace $0x90000049  }
0xb4: {  	s29 =	simm.s32 $0x9;
	_ =	strace $0x8000004B  }
0xb5: {  	_ =	swait.ge [sflag:s29], $0x1  }
0xb6: {  	[sflag:s29] =	ssyncadd.s32 $0xFFFFFFFF  }
0xb7: {  	_ =	strace $0x9000004B  }
0xb8: {  	_ =	sfence  }
0xb9: {  	s30 =	sld [smem:$0x0];
	_ =	sdelay $0x2  }
0xba: {  	s31 =	sshll.u32 s1, $0xD;
	s1 =	sshrl.u32 s1, $0x2  }
0xbb: {  	s3 =	sand.u32 $0x4000, s31;
	s1 =	sadd.s32 s1, s30  }
0xbc: {  	s0 =	sor.u32 s3, s0;
	s1 =	sshll.u32 s1, $0x11  }
0xbd: {  	s0 =	sor.u32 s1, s0  }
0xbe: {  	s0 =	sadd.s32 $0x8F2B, s0  }
0xbf: {  	[sflag:s0] =	ssyncadd.remote.s32 $0x1  }
0xc0: {  	_ =	sfence.sel $0xFFFF  }
0xc1: {  	[dreg:$0x0] =	wrdreg $0xFFFFFFFF;
	(pc) =	sbr.abs _section_cstart, $3  }
0xc2: {  	[dreg:$0x1] =	wrdreg $0xFFFFFFFF  }
0xc3: {  	_ =	task.clear_ibuf [dreg:s7], $0x2FFFF;
	_ =	strace $0x9FFFFFFF  }
0xc4: {  	(tm) =	ssettm $0x7FFFFFFF  }
0xc5: {  	_ =	shalt  }
tec
execute0_lowered:
.L_overlay_start_1:
0x0: {  	(tag) =	ssettag $0x1  }
0x1: {  	s5 =	rddreg [dreg:$0x0]  }
0x2: {  	s10 =	rddreg [dreg:$0x1]  }
0x3: {  	s2 =	rddreg [dreg:$0x2]  }
0x4: {  	s3 =	rddreg [dreg:$0x3]  }
0x5: {  	s1 =	stileid.u32;
	s0 =	rddreg [dreg:$0x4]  }
0x6: {  	s4 =	simm.s32 $0x0;
	s6 =	srdreg.scid;
	s14 =	simm.s32 $0x7800  }
0x7: {  	s17 =	simm.s32 $0x80;
	s18 =	simm.s32 $0xC800;
	s19 =	simm.s32 $0x1  }
0x8: {  	s20 =	simm.s32 $0xD000;
	s21 =	simm.s32 $0x2;
	s22 =	simm.s32 $0x9F80  }
0x9: {  	s23 =	simm.s32 $0xC700;
	s26 =	simm.s32 $0x0;
	s8 =	smul.u32 $0x2800, s1  }
0xa: {  	[smem:$0x7FF] =	sst s4;
	s9 =	smul.u32 $0x50, s1;
	s6 =	sand.u32 $0x1, s6  }
0xb: {  	s16 =	sadd.s32 $0xA000, s10;
	_ =	strace $0x8000004A;
	s11 =	smul.u32 $0x5000, s6  }
0xc: {  	s12 =	ssub.s32 $0x2, s6;
	s6 =	sshll.u32 s6, $0x4;
	s24 =	sshrl.u32 s8, $0x3  }
0xd: {  	s9 =	sadd.s32 s9, s5;
	s13 =	sshrl.u32 s12, $0x1;
	s6 =	sor.u32 s1, s6  }
0xe: {  	s7 =	sadd.s32 s24, s5;
	s11 =	sadd.s32 s11, s5;
	s12 =	ssub.s32 s12, s13  }
0xf: {  	s15 =	smul.u32 $0x500, s6;
	s6 =	sadd.s32 $0x1A00, s9;
	s13 =	simm.s32 $0x5000  }
0x10: {  	s5 =	sadd.s32 $0x2600, s7;
	s7 =	sadd.s32 s8, s2;
	s8 =	sadd.s32 s8, s3  }
0x11: {  	s25 =	sadd.s32 $0x7600, s11;
	s11 =	simm.s32 $0x3;
	s9 =	sadd.s32 s10, s15  }
0x12: {  	s10 =	smax.u32 s12, $0x1;
	s12 =	simm.s32 $0xD800;
	s15 =	sadd.s32 s15, s16  }
0x13: {  	v0 =	vimm.f32 $0.0e+00;
	s16 =	simm.s32 $0xA000;
	s24 =	sadd.s32 s24, s25;
	s25 =	simm.s32 $0xC780  }
.LBB2_1:
0x14: {  	[tilespmem:s13], [sflag:$0x3] =	stream.linear.gather [hbm4b:s5+s4], $0x2800, $0x38;
	[tilespmem:$0xDA80] =	vst v63  }
0x15: {  	_ =	swait.ge [sflag:s11], $0x2800  }
0x16: {  	[sflag:s11] =	ssyncset.done $0x0  }
0x17: {  	v1 =	vmov s4;
	[sflag:s11] =	ssyncadd.s32 $0xFFFFD800  }
0x18: {  	[tilespmem:s12], [sflag:$0x3] =	stream.linear.gather [hbm4b:s6+s4], $0x280, $0x38;
	[tilespmem:$0xDA80] =	vst v63  }
0x19: {  	_ =	swait.ge [sflag:s11], $0x280  }
0x1a: {  	[sflag:s11] =	ssyncset.done $0x0  }
0x1b: {  	[sflag:s11] =	ssyncadd.s32 $0xFFFFFD80  }
0x1c: {  	v1 =	vld.idx.msk [tilespmem:v1+s12+$0x0], $0xffff  }
0x1d: {  	v3 =	vld [tilespmem:s13+$0x0];
	_ =	sdelay $0x1  }
0x1e: {  	s28 =	simm.s32 $0x1  }
0x1f: {  	s29 =	simm.s32 $0x2;
	v2 =	vmov s28;
	s28 =	simm.s32 $0x5000  }
.LBB2_2:
0x20: {  	p0 =	sne.s32 s29, $0x27F  }
0x21: {  	v1 =	vmul.f32 v3, v1;
	_ =	sdelay $0x1  }
0x22: {  	[tilespmem:s28+$0x0] =	vst v1  }
.Ltmp0:
0x23: {  	s28 =	sadd.s32 $0x10, s28;
	v1 =	vld.idx.msk [tilespmem:v2+s12+$0x0], $0xffff;
	(pc) =	sbr.rel @p0 .LBB2_2-.Ltmp0, $2  }
0x24: {  	v3 =	vld [tilespmem:s28+$0x0];
	_ =	sdelay $0x2  }
0x25: {  	v2 =	vmov s29;
	s29 =	sadd.s32 $0x1, s29  }
0x26: {  	_ = 	snop  }
0x27: {  	v1 =	vmul.f32 v3, v1;
	_ =	sdelay $0x1  }
0x28: {  	[tilespmem:s28+$0x0] =	vst v1  }
0x29: {  	s28 =	sadd.s32 $0x10, s28;
	v1 =	vld.idx.msk [tilespmem:v2+s12+$0x0], $0xffff  }
0x2a: {  	v2 =	vld [tilespmem:s28+$0x0];
	_ =	sdelay $0x4  }
0x2b: {  	v1 =	vmul.f32 v2, v1;
	_ =	sdelay $0x1  }
0x2c: {  	[tilespmem:s28+$0x0] =	vst v1  }
0x2d: {  	[spmem:s7] =	stream.linear.scatter [tilespmem:s13], [sflag:$0x3], $0x2800, $0x38;
	[tilespmem:$0xDA80] =	vst v63  }
0x2e: {  	_ =	swait.ge [sflag:s11], $0x2800  }
0x2f: {  	[sflag:s11] =	ssyncset.done $0x0  }
0x30: {  	s29 =	simm.s32 $0x0;
	s28 =	simm.s32 $0x40;
	[sflag:s11] =	ssyncadd.s32 $0xFFFFD800  }
.LBB2_4:
0x31: {  	p0 =	sne.s32 s28, $0x9FC0;
	[tilespmem:s29+$0x5000] =	vst v0;
	s29 =	smov.u32 s28;
	s28 =	sadd.s32 $0x40, s28  }
.Ltmp1:
0x32: {  	(pc) =	sbr.rel @p0 .LBB2_4-.Ltmp1, $2  }
0x33: {  	_ =	sdelay $0x2  }
0x34: {  	s29 =	sshra.s32 s29, $0x2  }
0x35: {  	[tilespmem:s29+$0x5000] =	vst v0  }
0x36: {  	[spmem:s8] =	stream.linear.scatter [tilespmem:s13], [sflag:$0x3], $0x2800, $0x38;
	[tilespmem:$0xDA80] =	vst v63  }
0x37: {  	_ =	swait.ge [sflag:s11], $0x2800  }
0x38: {  	[sflag:s11] =	ssyncset.done $0x0  }
0x39: {  	s28 =	simm.s32 $0x0;
	[sflag:s11] =	ssyncadd.s32 $0xFFFFD800  }
0x3a: {  	[tilespmem:s14], [sflag:$0x3] =	stream.linear.gather [hbm4b:s9+s28], $0x2800, $0x38;
	[tilespmem:$0xDA80] =	vst v63  }
0x3b: {  	_ =	swait.ge [sflag:s11], $0x2800  }
0x3c: {  	[sflag:s11] =	ssyncset.done $0x0  }
0x3d: {  	[sflag:s11] =	ssyncadd.s32 $0xFFFFD800  }
0x3e: {  	[tilespmem:s16], [sflag:$0x3] =	stream.linear.gather [hbm4b:s15+s28], $0x2800, $0x38;
	[tilespmem:$0xDA80] =	vst v63  }
0x3f: {  	_ =	swait.ge [sflag:s11], $0x2800  }
0x40: {  	[sflag:s11] =	ssyncset.done $0x0  }
0x41: {  	[sflag:s11] =	ssyncadd.s32 $0xFFFFD800  }
0x42: {  	[bflag:$0x0] =	sbarrier.arrive $0xFFFF  }
0x43: {  	[tilespmem:s18], [sflag:$0x1] =	stream.indirect.gather [spmem:s2], $0x10, s14, s17, $0xb8;
	[tilespmem:$0xDA80] =	vst v63  }
0x44: {  	_ =	swait.ge [sflag:s19], $0x800  }
0x45: {  	[sflag:s19] =	ssyncset.done $0x0  }
0x46: {  	s28 =	simm.s32 $0x7880;
	[sflag:s19] =	ssyncadd.s32 $0xFFFFF800  }
0x47: {  	[tilespmem:s20], [sflag:$0x2] =	stream.indirect.gather [spmem:s2], $0x10, s28, s17, $0xb8;
	[tilespmem:$0xDA80] =	vst v63  }
0x48: {  	s28 =	simm.s32 $0xA000  }
0x49: {  	[spmem:s3] =	stream.indirect.scatter.add.f32 [tilespmem:s18], [sflag:$0x3], $0x10, s28, s17, $0xb8;
	[tilespmem:$0xDA80] =	vst v63  }
0x4a: {  	_ =	swait.ge [sflag:s11], $0x800  }
0x4b: {  	[sflag:s11] =	ssyncset.done $0x0  }
0x4c: {  	[sflag:s11] =	ssyncadd.s32 $0xFFFFF800  }
0x4d: {  	_ =	swait.ge [sflag:s21], $0x800  }
0x4e: {  	[sflag:s21] =	ssyncset.done $0x0  }
0x4f: {  	s28 =	simm.s32 $0x7900;
	[sflag:s21] =	ssyncadd.s32 $0xFFFFF800  }
0x50: {  	[tilespmem:s18], [sflag:$0x1] =	stream.indirect.gather [spmem:s2], $0x10, s28, s17, $0xb8;
	[tilespmem:$0xDA80] =	vst v63  }
0x51: {  	s28 =	simm.s32 $0xA080  }
0x52: {  	[spmem:s3] =	stream.indirect.scatter.add.f32 [tilespmem:s20], [sflag:$0x3], $0x10, s28, s17, $0xb8;
	[tilespmem:$0xDA80] =	vst v63  }
0x53: {  	_ =	swait.ge [sflag:s11], $0x800  }
0x54: {  	s28 =	simm.s32 $0x400;
	[sflag:s11] =	ssyncset.done $0x0  }
.LBB2_6:
0x55: {  	p0 =	sne.s32 s28, $0x9800  }
0x56: {  	[sflag:s11] =	ssyncadd.s32 $0xFFFFF800;
	s29 =	smov.u32 s28;
	s28 =	sadd.s32 $0x400, s28  }
0x57: {  	_ = 	snop  }
0x58: {  	_ =	swait.ge [sflag:s19], $0x800  }
0x59: {  	s29 =	sshra.s32 s29, $0x2;
	[sflag:s19] =	ssyncset.done $0x0  }
0x5a: {  	s30 =	sadd.s32 $0x7880, s29;
	[sflag:s19] =	ssyncadd.s32 $0xFFFFF800  }
0x5b: {  	[tilespmem:s20], [sflag:$0x2] =	stream.indirect.gather [spmem:s2], $0x10, s30, s17, $0xb8;
	[tilespmem:$0xDA80] =	vst v63  }
0x5c: {  	s30 =	sadd.s32 $0xA000, s29  }
0x5d: {  	[spmem:s3] =	stream.indirect.scatter.add.f32 [tilespmem:s18], [sflag:$0x3], $0x10, s30, s17, $0xb8;
	[tilespmem:$0xDA80] =	vst v63  }
0x5e: {  	_ =	swait.ge [sflag:s11], $0x800  }
0x5f: {  	[sflag:s11] =	ssyncset.done $0x0  }
0x60: {  	[sflag:s11] =	ssyncadd.s32 $0xFFFFF800  }
0x61: {  	_ =	swait.ge [sflag:s21], $0x800  }
0x62: {  	[sflag:s21] =	ssyncset.done $0x0  }
0x63: {  	s30 =	sadd.s32 $0x7900, s29;
	[sflag:s21] =	ssyncadd.s32 $0xFFFFF800  }
0x64: {  	[tilespmem:s18], [sflag:$0x1] =	stream.indirect.gather [spmem:s2], $0x10, s30, s17, $0xb8;
	[tilespmem:$0xDA80] =	vst v63  }
.Ltmp2:
0x65: {  	_ = 	snop;
	(pc) =	sbr.rel @p0 .LBB2_6-.Ltmp2, $4  }
0x66: {  	s29 =	sadd.s32 $0xA080, s29  }
0x67: {  	[spmem:s3] =	stream.indirect.scatter.add.f32 [tilespmem:s20], [sflag:$0x3], $0x10, s29, s17, $0xb8;
	[tilespmem:$0xDA80] =	vst v63  }
0x68: {  	_ =	swait.ge [sflag:s11], $0x800  }
0x69: {  	[sflag:s11] =	ssyncset.done $0x0  }
0x6a: {  	[sflag:s11] =	ssyncadd.s32 $0xFFFFF800  }
0x6b: {  	_ =	swait.ge [sflag:s19], $0x800  }
0x6c: {  	[sflag:s19] =	ssyncset.done $0x0  }
0x6d: {  	[sflag:s19] =	ssyncadd.s32 $0xFFFFF800  }
0x6e: {  	[tilespmem:s20], [sflag:$0x2] =	stream.indirect.gather [spmem:s2], $0x10, s22, s17, $0xb8;
	[tilespmem:$0xDA80] =	vst v63  }
0x6f: {  	_ = 	snop  }
0x70: {  	[spmem:s3] =	stream.indirect.scatter.add.f32 [tilespmem:s18], [sflag:$0x3], $0x10, s23, s17, $0xb8;
	[tilespmem:$0xDA80] =	vst v63  }
0x71: {  	_ =	swait.ge [sflag:s11], $0x800  }
0x72: {  	[sflag:s11] =	ssyncset.done $0x0  }
0x73: {  	[sflag:s11] =	ssyncadd.s32 $0xFFFFF800  }
0x74: {  	_ =	swait.ge [sflag:s21], $0x800  }
0x75: {  	[sflag:s21] =	ssyncset.done $0x0  }
0x76: {  	[sflag:s21] =	ssyncadd.s32 $0xFFFFF800  }
0x77: {  	[spmem:s3] =	stream.indirect.scatter.add.f32 [tilespmem:s20], [sflag:$0x3], $0x10, s25, s17, $0xb8;
	[tilespmem:$0xDA80] =	vst v63  }
0x78: {  	_ =	swait.ge [sflag:s11], $0x800  }
0x79: {  	[sflag:s11] =	ssyncset.done $0x0  }
0x7a: {  	[sflag:s11] =	ssyncadd.s32 $0xFFFFF800  }
0x7b: {  	[bflag:$0x0] =	sbarrier.arrive $0xFFFF  }
0x7c: {  	[tilespmem:s13], [sflag:$0x3] =	stream.linear.gather [spmem:s8], $0x2800, $0x38;
	[tilespmem:$0xDA80] =	vst v63  }
0x7d: {  	s26 =	sadd.s32 $0x1, s26;
	_ =	swait.ge [sflag:s11], $0x2800  }
0x7e: {  	p0 =	sne.s32 s26, s10;
	[sflag:s11] =	ssyncset.done $0x0  }
.Ltmp3:
0x7f: {  	[sflag:s11] =	ssyncadd.s32 $0xFFFFD800;
	(pc) =	sbr.rel @p0 .LBB2_1-.Ltmp3, $4  }
0x80: {  	[hbm4b:s24+s4] =	stream.linear.scatter [tilespmem:s13], [sflag:$0x3], $0x2800, $0x38;
	[tilespmem:$0xDA80] =	vst v63  }
0x81: {  	_ =	swait.ge [sflag:s11], $0x2800  }
0x82: {  	[sflag:s11] =	ssyncset.done $0x0  }
0x83: {  	[sflag:s11] =	ssyncadd.s32 $0xFFFFD800  }
0x84: {  	_ =	sfence.sel $0x180000  }
0x85: {  	[bflag:$0x0] =	sbarrier.arrive $0xFFFF  }
0x86: {  	p0 =	sne.s32 s1, $0x0;
	_ =	strace $0x9000004A  }
0x87: {  	s0 =	sadd.s32 @!p0 $0x100000, s0;
	[bflag:$0x2] =	sbarrier.arrive $0xFFFF  }
0x88: {  	[sflag:s0] =	ssyncadd.tile.s32 @!p0 $0x1;
	_ =	shalt  }
.Lfunc_end2:
_tile_overlayer_lowered:
.L_overlay_start_2:
0x89: {  	(tag) =	ssettag $0x2  }
0x8a: {  	s0 =	rddreg [dreg:$0x0];
	s2 =	stileid.u32  }
0x8b: {  	s1 =	rddreg [dreg:$0x1];
	p0 =	sne.s32 s2, $0x0  }
0x8c: {  	s3 =	rddreg [dreg:$0x2];
	[bflag:$0x3] =	sbarrier.arrive $0xFFFF;
	s2 =	simm.s32 @!p0 $0x1C03  }
0x8d: {  	[timem:s3], [sflag:s2] =	dma.local @!p0 [hbm:s0], s1  }
0x8e: {  	s0 =	simm.s32 @!p0 $0x3  }
0x8f: {  	_ =	swait.ge @!p0 [sflag:s0], s1  }
0x90: {  	s1 =	ssub.s32 @!p0 $0x0, s1;
	[sflag:s0] =	ssyncset.done @!p0 $0x0  }
0x91: {  	[sflag:s0] =	ssyncadd.s32 @!p0 s1  }
0x92: {  	[bflag:$0x3] =	sbarrier.arrive $0xFFFF  }
0x93: {  	_ =	shalt  }

// kernel: kernel.14.cloned.1.call-start
scs
__scs_entry_jumppad:
0x0: {  	(pc) =	sbr.rel $0x88, $3  }
0x1: {  	(tag) =	ssettag $0x0;
	lr =	simm.s32 $0x1  }
0x2: {  	[smem:$0x3F9B] =	sst lr;
	_ =	strace $0xD0000000  }
0x3: {  	_ = 	snop  }
0x4: {  	_ = 	snop  }
0x5: {  	_ = 	snop  }
0x6: {  	_ = 	snop  }
0x7: {  	_ = 	snop  }
__scs_overlays_trampoline_lowered:
0x8: {  	[smem:$0x3FAA] =	sst s0  }
0x9: {  	[smem:$0x3FAB] =	sst s1  }
0xa: {  	[smem:$0x3FAC] =	sst s2  }
0xb: {  	[smem:$0x3FAD] =	sst s3  }
0xc: {  	[smem:$0x3FAE] =	sst s4  }
0xd: {  	[smem:$0x3FAF] =	sst s5  }
0xe: {  	[smem:$0x3FB0] =	sst s6  }
0xf: {  	[smem:$0x3FB1] =	sst s7  }
0x10: {  	[smem:$0x3FB2] =	sst s8  }
0x11: {  	[smem:$0x3FB3] =	sst s9;
	s0 =	simm.s32 @!p0 $0x0  }
0x12: {  	s1 =	sld [smem:$0x3F99];
	s0 =	simm.s32 @p0 $0x1  }
0x13: {  	[smem:$0x3FB4] =	sst s0;
	s0 =	simm.s32 @!p1 $0x0  }
0x14: {  	s2 =	sld [smem:$0x3F98];
	s0 =	simm.s32 @p1 $0x1  }
0x15: {  	[smem:$0x3FB5] =	sst s0;
	s0 =	simm.s32 @!p2 $0x0  }
0x16: {  	s3 =	sld [smem:$0x3FDB];
	s0 =	simm.s32 @p2 $0x1  }
0x17: {  	s4 =	simm.s32 $0x1BF5;
	[smem:$0x3FB7] =	sst s0  }
0x18: {  	s0 =	sld [smem:$0x3F9A];
	_ =	swait.ge [sflag:s4], $0x0  }
0x19: {  	s7 =	sld [smem:$0x3F9B]  }
0x1a: {  	s8 =	sadd.s32 $0xFFFFE003, lr  }
0x1b: {  	s9 =	sadd.s32 $0xFFFFFEF7, lr;
	s5 =	simm.s32 $0xFFFFFFFF;
	p2 =	slt.u32 s8, $0xFFFFF086  }
0x1c: {  	p1 =	slt.u32 s9, $0xF7A;
	s5 =	simm.s32 @!p2 $0x0  }
0x1d: {  	s5 =	simm.s32 @p1 $0x1;
	p0 =	seq.s32 s7, s2  }
0x1e: {  	s7 =	smul.u32 @!p0 $0xF7A, s2;
	p2 =	seq.s32 @!p0 s5, $0x0  }
0x1f: {  	s9 =	smul.u32 $0xF7A, s1;
	s8 =	simm.s32 @!p0 $0x1BF5;
	p2 =	por !p2, p0  }
0x20: {  	[sflag:s8] =	ssyncset.s32 @!p0 $0xFFFFF086;
	s6 =	sadd.s32 @!p0 s3, s7;
	s7 =	simm.s32 @!p0 $0x108  }
0x21: {  	s3 =	sadd.s32 s3, s9;
	s6 =	sadd.s32 @!p0 $0x88, s6;
	s7 =	simm.s32 @p2 $0x1082  }
0x22: {  	[simem:s7], [sflag:s8] =	dma.local @!p0 [hbm:s6], $0xF7A  }
0x23: {  	s9 =	sor.u32 $0xD0000000, s2;
	s6 =	simm.s32 $0x108;
	_ =	swait.ge @!p0 [sflag:s8], $0x0  }
0x24: {  	s3 =	sadd.s32 $0x88, s3;
	s6 =	simm.s32 @!p1 $0x1082;
	[sflag:s4] =	ssyncset.s32 $0xFFFFF086  }
0x25: {  	[simem:s6], [sflag:s4] =	dma.local [hbm:s3], $0xF7A  }
0x26: {  	[smem:$0x3F9B] =	sst s1;
	(tag) =	ssettag s2;
	_ =	strace s9  }
0x27: {  	s1 =	sld [smem:$0x3FAB]  }
0x28: {  	s2 =	sld [smem:$0x3FAC]  }
0x29: {  	s4 =	sld [smem:$0x3FAE]  }
0x2a: {  	p0 =	seq.s32 s5, $0x0;
	s5 =	sld [smem:$0x3FAF]  }
0x2b: {  	s6 =	sld [smem:$0x3FB0]  }
0x2c: {  	s7 =	sld [smem:$0x3FB1]  }
0x2d: {  	s3 =	simm.s32 $0x108;
	s8 =	sld [smem:$0x3FB2]  }
0x2e: {  	s3 =	simm.s32 @!p0 $0x1082;
	s9 =	sld [smem:$0x3FB3]  }
0x2f: {  	lr =	sadd.s32 s0, s3;
	s0 =	sld [smem:$0x3FAA]  }
0x30: {  	s3 =	sld [smem:$0x3FAD]  }
0x31: {  	[smem:$0x3FB6] =	sst s10  }
0x32: {  	s10 =	sld [smem:$0x3FB4];
	_ =	sdelay $0x3  }
0x33: {  	p0 =	seq.s32 s10, $0x1;
	s10 =	sld [smem:$0x3FB6];
	_ =	sdelay $0x3  }
0x34: {  	[smem:$0x3FB6] =	sst s10  }
0x35: {  	s10 =	sld [smem:$0x3FB5];
	_ =	sdelay $0x3  }
0x36: {  	p1 =	seq.s32 s10, $0x1;
	s10 =	sld [smem:$0x3FB6];
	_ =	sdelay $0x3  }
0x37: {  	[smem:$0x3FB6] =	sst s10  }
0x38: {  	s10 =	sld [smem:$0x3FB7]  }
0x39: {  	_ = 	snop;
	(pc) =	sbr.ind lr, $3  }
0x3a: {  	_ = 	snop  }
0x3b: {  	_ = 	snop  }
0x3c: {  	p2 =	seq.s32 s10, $0x1;
	s10 =	sld [smem:$0x3FB6]  }
0x3d: {  	_ =	shalt  }
0x3e: {  	_ =	shalt  }
0x3f: {  	_ =	shalt  }
0x40: {  	_ =	shalt  }
0x41: {  	_ =	shalt  }
0x42: {  	_ =	shalt  }
0x43: {  	_ =	shalt  }
0x44: {  	_ =	shalt  }
0x45: {  	_ =	shalt  }
0x46: {  	_ =	shalt  }
0x47: {  	_ =	shalt  }
0x48: {  	_ =	shalt  }
0x49: {  	_ =	shalt  }
0x4a: {  	_ =	shalt  }
0x4b: {  	_ =	shalt  }
0x4c: {  	_ =	shalt  }
0x4d: {  	_ =	shalt  }
0x4e: {  	_ =	shalt  }
0x4f: {  	_ =	shalt  }
0x50: {  	_ =	shalt  }
0x51: {  	_ =	shalt  }
0x52: {  	_ =	shalt  }
0x53: {  	_ =	shalt  }
0x54: {  	_ =	shalt  }
0x55: {  	_ =	shalt  }
0x56: {  	_ =	shalt  }
0x57: {  	_ =	shalt  }
0x58: {  	_ =	shalt  }
0x59: {  	_ =	shalt  }
0x5a: {  	_ =	shalt  }
0x5b: {  	_ =	shalt  }
0x5c: {  	_ =	shalt  }
0x5d: {  	_ =	shalt  }
0x5e: {  	_ =	shalt  }
0x5f: {  	_ =	shalt  }
0x60: {  	_ =	shalt  }
0x61: {  	_ =	shalt  }
0x62: {  	_ =	shalt  }
0x63: {  	_ =	shalt  }
0x64: {  	_ =	shalt  }
0x65: {  	_ =	shalt  }
0x66: {  	_ =	shalt  }
0x67: {  	_ =	shalt  }
0x68: {  	_ =	shalt  }
0x69: {  	_ =	shalt  }
0x6a: {  	_ =	shalt  }
0x6b: {  	_ =	shalt  }
0x6c: {  	_ =	shalt  }
0x6d: {  	_ =	shalt  }
0x6e: {  	_ =	shalt  }
0x6f: {  	_ =	shalt  }
0x70: {  	_ =	shalt  }
0x71: {  	_ =	shalt  }
0x72: {  	_ =	shalt  }
0x73: {  	_ =	shalt  }
0x74: {  	_ =	shalt  }
0x75: {  	_ =	shalt  }
0x76: {  	_ =	shalt  }
0x77: {  	_ =	shalt  }
0x78: {  	_ =	shalt  }
0x79: {  	_ =	shalt  }
0x7a: {  	_ =	shalt  }
0x7b: {  	_ =	shalt  }
0x7c: {  	_ =	shalt  }
0x7d: {  	_ =	shalt  }
0x7e: {  	_ =	shalt  }
0x7f: {  	_ =	shalt  }
0x80: {  	_ =	shalt  }
0x81: {  	_ =	shalt  }
0x82: {  	_ =	shalt  }
0x83: {  	_ =	shalt  }
0x84: {  	_ =	shalt  }
0x85: {  	_ =	shalt  }
0x86: {  	_ =	shalt  }
0x87: {  	_ =	shalt  }
.Lfunc_end0:
.L_simem_size_0:
called_computation.2_lowered:
.L_overlay_start_0:
0x88: {  	s2 =	sld [smem:$0x3FD9]  }
0x89: {  	s3 =	sld [smem:$0x3FFE];
	_ =	sdelay $0x1  }
0x8a: {  	s1 =	srdreg.scid  }
0x8b: {  	s0 =	sand.u32 $0x1, s1  }
0x8c: {  	s17 =	sshll.u32 s0, $0xA;
	s2 =	sadd.s32 s3, s2  }
0x8d: {  	s2 =	sadd.s32 s2, s17  }
0x8e: {  	[smem:$0x3FC2] =	sst s2  }
0x8f: {  	_ = 	snop  }
0x90: {  	s2 =	sld [smem:$0x3FC6]  }
0x91: {  	s18 =	sld [smem:$0x3FD0];
	(tm) =	ssettm $0x1  }
0x92: {  	s4 =	sld [smem:$0x3FFB];
	_ =	sdelay $0x3  }
0x93: {  	_ =	strace s4  }
0x94: {  	s4 =	sld [smem:$0x3FFC];
	_ =	sdelay $0x3  }
0x95: {  	_ =	strace s4  }
0x96: {  	s4 =	sld [smem:$0x3FFD];
	_ =	sdelay $0x3  }
0x97: {  	_ =	strace s4  }
0x98: {  	_ =	strace $0x8FFFFFFF  }
0x99: {  	s19 =	sld [smem:$0x3FDB];
	_ =	sdelay $0x1  }
0x9a: {  	s5 =	simm.s32 $_scs_section_size  }
0x9b: {  	s6 =	simm.s32 $_size__tile_overlayer_lowered;
	s7 =	simm.s32 $_tile_overlayer_lowered  }
0x9c: {  	s22 =	simm.s32 $0x1BFF;
	s21 =	sshll.u32 s7, $0x1;
	s4 =	sadd.s32 s5, s19  }
0x9d: {  	s8 =	simm.s32 $0x0;
	s20 =	sshll.u32 s6, $0x1;
	s6 =	sadd.s32 s21, s4  }
0x9e: {  	[timem:s8], [sflag:s22] =	dma.local [hbm:s6], s20  }
0x9f: {  	_ =	swait.ge [sflag:s22], s20  }
0xa0: {  	s5 =	ssub.s32 $0x0, s20;
	[sflag:s22] =	ssyncset.done $0x0  }
0xa1: {  	[sflag:s22] =	ssyncadd.s32 s5;
	_ =	sdelay $0x1  }
0xa2: {  	s23 =	simm.s32 $0x1B8B  }
0xa3: {  	_ =	swait.ge [sflag:s23], $0x1  }
0xa4: {  	[sflag:s23] =	ssyncset.done $0x0  }
0xa5: {  	s25 =	simm.s32 $0x1B8E;
	s24 =	sld [smem:$0x3FFE];
	[sflag:s23] =	ssyncadd.s32 $0xFFFFFFFF  }
0xa6: {  	s26 =	simm.s32 $execute0_lowered;
	[smem:$0x3FD2] =	sst s25  }
0xa7: {  	s6 =	sshll.u32 s26, $0x1;
	_ =	strace $0x8000004C;
	[dreg:$0x1] =	wrdreg $0xFFFFFFFF  }
0xa8: {  	s28 =	simm.s32 $_size_execute0_lowered;
	s4 =	sadd.s32 s4, s6;
	[dreg:$0x0] =	wrdreg $0x0  }
0xa9: {  	s6 =	sshll.u32 s28, $0x1;
	[dreg:$0x2] =	wrdreg s4  }
0xaa: {  	[dreg:$0x3] =	wrdreg s6  }
0xab: {  	[dreg:$0x4] =	wrdreg $0xC0  }
0xac: {  	_ =	task [dreg:s8], $0x5FFFF  }
0xad: {  	[dreg:$0x1] =	wrdreg $0xFFFFFFFF  }
0xae: {  	[dreg:$0x0] =	wrdreg $0x60  }
0xaf: {  	[dreg:$0x2] =	wrdreg s24  }
0xb0: {  	[dreg:$0x3] =	wrdreg s2  }
0xb1: {  	[dreg:$0x4] =	wrdreg s18  }
0xb2: {  	[dreg:$0x5] =	wrdreg $0x0  }
0xb3: {  	[dreg:$0x6] =	wrdreg $0x28000  }
0xb4: {  	[dreg:$0x7] =	wrdreg $0x9  }
0xb5: {  	_ =	task.clear_ibuf [dreg:s8], $0x8FFFF;
	_ =	strace $0x9000004C  }
0xb6: {  	s29 =	simm.s32 $0x9;
	_ =	strace $0x8000004E  }
0xb7: {  	_ =	swait.ge [sflag:s29], $0x1  }
0xb8: {  	[sflag:s29] =	ssyncadd.s32 $0xFFFFFFFF  }
0xb9: {  	_ =	strace $0x9000004E  }
0xba: {  	_ =	sfence  }
0xbb: {  	s30 =	sld [smem:$0x0];
	_ =	sdelay $0x2  }
0xbc: {  	s31 =	sshll.u32 s1, $0xD;
	s1 =	sshrl.u32 s1, $0x2  }
0xbd: {  	s3 =	sand.u32 $0x4000, s31;
	s1 =	sadd.s32 s1, s30  }
0xbe: {  	s0 =	sor.u32 s3, s0;
	s1 =	sshll.u32 s1, $0x11  }
0xbf: {  	s0 =	sor.u32 s1, s0  }
0xc0: {  	s0 =	sadd.s32 $0x8F2B, s0  }
0xc1: {  	[sflag:s0] =	ssyncadd.remote.s32 $0x1  }
0xc2: {  	_ =	sfence.sel $0xFFFF  }
0xc3: {  	[dreg:$0x0] =	wrdreg $0xFFFFFFFF;
	(pc) =	sbr.abs _section_cstart, $3  }
0xc4: {  	[dreg:$0x1] =	wrdreg $0xFFFFFFFF  }
0xc5: {  	_ =	task.clear_ibuf [dreg:s8], $0x2FFFF;
	_ =	strace $0x9FFFFFFF  }
0xc6: {  	(tm) =	ssettm $0x7FFFFFFF  }
0xc7: {  	_ =	shalt  }
tec
execute0_lowered:
.L_overlay_start_1:
0x0: {  	(tag) =	ssettag $0x1  }
0x1: {  	s0 =	rddreg [dreg:$0x0]  }
0x2: {  	s1 =	rddreg [dreg:$0x2]  }
0x3: {  	s3 =	rddreg [dreg:$0x3]  }
0x4: {  	s4 =	rddreg [dreg:$0x4]  }
0x5: {  	s14 =	stileid.u32;
	s5 =	simm.s32 $0x0;
	s6 =	srdreg.scid  }
0x6: {  	s16 =	simm.s32 $0x10000;
	s17 =	simm.s32 $0x10280;
	s18 =	simm.s32 $0x5000  }
0x7: {  	s19 =	simm.s32 $0x7800;
	s21 =	simm.s32 $0xA000;
	s28 =	simm.s32 $0x2  }
0x8: {  	s29 =	simm.s32 $0x9F80;
	s30 =	simm.s32 $0xC700;
	s2 =	smul.u32 $0x2800, s14  }
0x9: {  	s31 =	simm.s32 $0xC780;
	[smem:$0x7FF] =	sst s5;
	s12 =	smul.u32 $0x50, s14  }
0xa: {  	s6 =	sand.u32 $0x1, s6;
	s25 =	sadd.s32 $0xC600, s0;
	_ =	strace $0x8000004D  }
0xb: {  	s7 =	smul.u32 $0x5000, s6;
	s10 =	ssub.s32 $0x2, s6;
	s6 =	sshll.u32 s6, $0x4  }
0xc: {  	s24 =	sshrl.u32 s2, $0x3;
	s9 =	sadd.s32 s12, s0;
	s22 =	sshrl.u32 s10, $0x1  }
0xd: {  	s23 =	sor.u32 s14, s6;
	s8 =	sadd.s32 s24, s0;
	s11 =	sadd.s32 s7, s0  }
0xe: {  	s13 =	ssub.s32 s10, s22;
	s0 =	sadd.s32 $0x1F00, s0;
	s20 =	smul.u32 $0x500, s23  }
0xf: {  	s7 =	sadd.s32 $0x1A00, s9;
	s9 =	sadd.s32 s2, s4;
	s14 =	sadd.s32 s24, s25  }
0x10: {  	s22 =	simm.s32 $0x80;
	s23 =	simm.s32 $0xC800;
	s25 =	simm.s32 $0x1  }
0x11: {  	s6 =	sadd.s32 $0x7600, s8;
	s8 =	sadd.s32 s2, s3;
	s26 =	sadd.s32 $0x11600, s11  }
0x12: {  	s11 =	smax.u32 s13, $0x1;
	s13 =	simm.s32 $0x3;
	s15 =	sadd.s32 s12, s0  }
0x13: {  	s0 =	simm.s32 $0x0;
	s10 =	sadd.s32 s1, s20;
	s1 =	sadd.s32 $0xA000, s1  }
0x14: {  	v0 =	vimm.f32 $0.0e+00;
	s24 =	sadd.s32 s24, s26;
	s26 =	simm.s32 $0xD000;
	s20 =	sadd.s32 s20, s1  }
.LBB2_1:
0x15: {  	s1 =	rddreg [dreg:$0x1];
	s2 =	simm.s32 $0x10500  }
0x16: {  	[tilespmem:s2], [sflag:$0x3] =	stream.linear.gather [hbm4b:s1+s5], $0x10, $0x38;
	[tilespmem:$0x10510] =	vst v63  }
0x17: {  	_ =	swait.ge [sflag:s13], $0x10  }
0x18: {  	[sflag:s13] =	ssyncset.done $0x0  }
0x19: {  	[sflag:s13] =	ssyncadd.s32 $0xFFFFFFF0  }
0x1a: {  	v1 =	vld [tilespmem:$0x10500];
	[tilespmem:s18], [sflag:$0x3] =	stream.linear.gather [hbm4b:s6+s5], $0x2800, $0x38  }
0x1b: {  	_ =	swait.ge [sflag:s13], $0x2800  }
0x1c: {  	[sflag:s13] =	ssyncset.done $0x0  }
0x1d: {  	s2 =	simm.s32 $0xD800;
	[sflag:s13] =	ssyncadd.s32 $0xFFFFD800  }
0x1e: {  	[tilespmem:s2], [sflag:$0x3] =	stream.linear.gather [hbm4b:s14+s5], $0x2800, $0x38;
	[tilespmem:$0x10510] =	vst v63  }
0x1f: {  	_ =	swait.ge [sflag:s13], $0x2800  }
0x20: {  	[sflag:s13] =	ssyncset.done $0x0  }
0x21: {  	[sflag:s13] =	ssyncadd.s32 $0xFFFFD800  }
0x22: {  	[tilespmem:s16], [sflag:$0x3] =	stream.linear.gather [hbm4b:s15+s5], $0x280, $0x38;
	[tilespmem:$0x10510] =	vst v63  }
0x23: {  	_ =	swait.ge [sflag:s13], $0x280  }
0x24: {  	[sflag:s13] =	ssyncset.done $0x0  }
0x25: {  	[sflag:s13] =	ssyncadd.s32 $0xFFFFFD80  }
0x26: {  	[tilespmem:s17], [sflag:$0x3] =	stream.linear.gather [hbm4b:s7+s5], $0x280, $0x38;
	[tilespmem:$0x10510] =	vst v63  }
0x27: {  	_ =	swait.ge [sflag:s13], $0x280  }
0x28: {  	v2 =	vmov s5;
	[sflag:s13] =	ssyncset.done $0x0  }
0x29: {  	[sflag:s13] =	ssyncadd.s32 $0xFFFFFD80  }
0x2a: {  	v3 =	vld [tilespmem:s18+$0x0]  }
0x2b: {  	v4 =	vld [tilespmem:s2+$0x0];
	_ =	sdelay $0x1  }
0x2c: {  	v5 =	vld.idx.msk [tilespmem:v2+s16+$0x0], $0xffff;
	_ =	sdelay $0x2  }
0x2d: {  	v3 =	vadd.f32 v4, v3;
	_ =	sdelay $0x1  }
0x2e: {  	v4 =	vld.idx.msk [tilespmem:v2+s17+$0x0], $0xffff;
	v2 =	vmul.f32 v3, v5;
	_ =	sdelay $0x1  }
0x2f: {  	v2 =	vadd.f32 v2, v1;
	_ =	sdelay $0x1  }
0x30: {  	s12 =	simm.s32 $0x1;
	v3 =	vmax.f32 v2, $0.0e+00  }
0x31: {  	s1 =	simm.s32 $0x5000;
	v2 =	vmov s12;
	s12 =	simm.s32 $0x2;
	v3 =	vmul.f32 v3, v4  }
.LBB2_2:
0x32: {  	p0 =	sne.s32 s12, $0x27F  }
0x33: {  	[tilespmem:s1+$0x0] =	vst v3;
	s1 =	sadd.s32 $0x10, s1  }
0x34: {  	s2 =	sadd.s32 $0x10, s2;
	v3 =	vld [tilespmem:s1+$0x0]  }
0x35: {  	v4 =	vld [tilespmem:s2+$0x0]  }
0x36: {  	v5 =	vld.idx.msk [tilespmem:v2+s16+$0x0], $0xffff;
	_ =	sdelay $0x3  }
0x37: {  	v3 =	vadd.f32 v4, v3  }
0x38: {  	v4 =	vld.idx.msk [tilespmem:v2+s17+$0x0], $0xffff  }
0x39: {  	v2 =	vmul.f32 v3, v5  }
.Ltmp0:
0x3a: {  	(pc) =	sbr.rel @p0 .LBB2_2-.Ltmp0, $3  }
0x3b: {  	v2 =	vadd.f32 v2, v1;
	_ =	sdelay $0x1  }
0x3c: {  	v3 =	vmax.f32 v2, $0.0e+00  }
0x3d: {  	v2 =	vmov s12;
	s12 =	sadd.s32 $0x1, s12;
	v3 =	vmul.f32 v3, v4  }
0x3e: {  	_ = 	snop  }
0x3f: {  	s12 =	sadd.s32 $0x10, s1;
	[tilespmem:s1+$0x0] =	vst v3  }
0x40: {  	s2 =	sadd.s32 $0x10, s2;
	v3 =	vld [tilespmem:s12+$0x0]  }
0x41: {  	v4 =	vld [tilespmem:s2+$0x0];
	_ =	sdelay $0x1  }
0x42: {  	v5 =	vld.idx.msk [tilespmem:v2+s16+$0x0], $0xffff;
	_ =	sdelay $0x2  }
0x43: {  	v3 =	vadd.f32 v4, v3;
	_ =	sdelay $0x1  }
0x44: {  	v2 =	vld.idx.msk [tilespmem:v2+s17+$0x0], $0xffff;
	v3 =	vmul.f32 v3, v5;
	_ =	sdelay $0x1  }
0x45: {  	v1 =	vadd.f32 v3, v1;
	_ =	sdelay $0x1  }
0x46: {  	v1 =	vmax.f32 v1, $0.0e+00  }
0x47: {  	v1 =	vmul.f32 v1, v2;
	_ =	sdelay $0x1  }
0x48: {  	[tilespmem:s12+$0x0] =	vst v1  }
0x49: {  	[spmem:s8] =	stream.linear.scatter [tilespmem:s18], [sflag:$0x3], $0x2800, $0x38;
	[tilespmem:$0x10510] =	vst v63  }
0x4a: {  	_ =	swait.ge [sflag:s13], $0x2800  }
0x4b: {  	[sflag:s13] =	ssyncset.done $0x0  }
0x4c: {  	s1 =	simm.s32 $0x40;
	s2 =	simm.s32 $0x0;
	[sflag:s13] =	ssyncadd.s32 $0xFFFFD800  }
.LBB2_4:
0x4d: {  	p0 =	sne.s32 s1, $0x9FC0;
	[tilespmem:s2+$0x5000] =	vst v0;
	s2 =	smov.u32 s1;
	s1 =	sadd.s32 $0x40, s1  }
.Ltmp1:
0x4e: {  	(pc) =	sbr.rel @p0 .LBB2_4-.Ltmp1, $2  }
0x4f: {  	_ =	sdelay $0x2  }
0x50: {  	s2 =	sshra.s32 s2, $0x2  }
0x51: {  	[tilespmem:s2+$0x5000] =	vst v0  }
0x52: {  	[spmem:s9] =	stream.linear.scatter [tilespmem:s18], [sflag:$0x3], $0x2800, $0x38;
	[tilespmem:$0x10510] =	vst v63  }
0x53: {  	_ =	swait.ge [sflag:s13], $0x2800  }
0x54: {  	[sflag:s13] =	ssyncset.done $0x0  }
0x55: {  	s1 =	simm.s32 $0x0;
	[sflag:s13] =	ssyncadd.s32 $0xFFFFD800  }
0x56: {  	[tilespmem:s19], [sflag:$0x3] =	stream.linear.gather [hbm4b:s10+s1], $0x2800, $0x38;
	[tilespmem:$0x10510] =	vst v63  }
0x57: {  	_ =	swait.ge [sflag:s13], $0x2800  }
0x58: {  	[sflag:s13] =	ssyncset.done $0x0  }
0x59: {  	[sflag:s13] =	ssyncadd.s32 $0xFFFFD800  }
0x5a: {  	[tilespmem:s21], [sflag:$0x3] =	stream.linear.gather [hbm4b:s20+s1], $0x2800, $0x38;
	[tilespmem:$0x10510] =	vst v63  }
0x5b: {  	_ =	swait.ge [sflag:s13], $0x2800  }
0x5c: {  	[sflag:s13] =	ssyncset.done $0x0  }
0x5d: {  	[sflag:s13] =	ssyncadd.s32 $0xFFFFD800  }
0x5e: {  	[bflag:$0x0] =	sbarrier.arrive $0xFFFF  }
0x5f: {  	[tilespmem:s23], [sflag:$0x1] =	stream.indirect.gather [spmem:s3], $0x10, s19, s22, $0xb8;
	[tilespmem:$0x10510] =	vst v63  }
0x60: {  	_ =	swait.ge [sflag:s25], $0x800  }
0x61: {  	[sflag:s25] =	ssyncset.done $0x0  }
0x62: {  	s2 =	simm.s32 $0x7880;
	[sflag:s25] =	ssyncadd.s32 $0xFFFFF800  }
0x63: {  	[tilespmem:s26], [sflag:$0x2] =	stream.indirect.gather [spmem:s3], $0x10, s2, s22, $0xb8;
	[tilespmem:$0x10510] =	vst v63  }
0x64: {  	s12 =	simm.s32 $0xA000  }
0x65: {  	[spmem:s4] =	stream.indirect.scatter.add.f32 [tilespmem:s23], [sflag:$0x3], $0x10, s12, s22, $0xb8;
	[tilespmem:$0x10510] =	vst v63  }
0x66: {  	_ =	swait.ge [sflag:s13], $0x800  }
0x67: {  	[sflag:s13] =	ssyncset.done $0x0  }
0x68: {  	[sflag:s13] =	ssyncadd.s32 $0xFFFFF800  }
0x69: {  	_ =	swait.ge [sflag:s28], $0x800  }
0x6a: {  	[sflag:s28] =	ssyncset.done $0x0  }
0x6b: {  	s2 =	simm.s32 $0x7900;
	[sflag:s28] =	ssyncadd.s32 $0xFFFFF800  }
0x6c: {  	[tilespmem:s23], [sflag:$0x1] =	stream.indirect.gather [spmem:s3], $0x10, s2, s22, $0xb8;
	[tilespmem:$0x10510] =	vst v63  }
0x6d: {  	s12 =	simm.s32 $0xA080  }
0x6e: {  	[spmem:s4] =	stream.indirect.scatter.add.f32 [tilespmem:s26], [sflag:$0x3], $0x10, s12, s22, $0xb8;
	[tilespmem:$0x10510] =	vst v63  }
0x6f: {  	_ =	swait.ge [sflag:s13], $0x800  }
0x70: {  	s2 =	simm.s32 $0x400;
	[sflag:s13] =	ssyncset.done $0x0  }
.LBB2_6:
0x71: {  	p0 =	sne.s32 s2, $0x9800  }
0x72: {  	[sflag:s13] =	ssyncadd.s32 $0xFFFFF800;
	s1 =	smov.u32 s2;
	s2 =	sadd.s32 $0x400, s2  }
0x73: {  	_ = 	snop  }
0x74: {  	_ =	swait.ge [sflag:s25], $0x800  }
0x75: {  	s1 =	sshra.s32 s1, $0x2;
	[sflag:s25] =	ssyncset.done $0x0  }
0x76: {  	s12 =	sadd.s32 $0x7880, s1;
	[sflag:s25] =	ssyncadd.s32 $0xFFFFF800  }
0x77: {  	[tilespmem:s26], [sflag:$0x2] =	stream.indirect.gather [spmem:s3], $0x10, s12, s22, $0xb8;
	[tilespmem:$0x10510] =	vst v63  }
0x78: {  	s12 =	sadd.s32 $0xA000, s1  }
0x79: {  	[spmem:s4] =	stream.indirect.scatter.add.f32 [tilespmem:s23], [sflag:$0x3], $0x10, s12, s22, $0xb8;
	[tilespmem:$0x10510] =	vst v63  }
0x7a: {  	_ =	swait.ge [sflag:s13], $0x800  }
0x7b: {  	[sflag:s13] =	ssyncset.done $0x0  }
0x7c: {  	[sflag:s13] =	ssyncadd.s32 $0xFFFFF800  }
0x7d: {  	_ =	swait.ge [sflag:s28], $0x800  }
0x7e: {  	[sflag:s28] =	ssyncset.done $0x0  }
0x7f: {  	s12 =	sadd.s32 $0x7900, s1;
	[sflag:s28] =	ssyncadd.s32 $0xFFFFF800  }
0x80: {  	[tilespmem:s23], [sflag:$0x1] =	stream.indirect.gather [spmem:s3], $0x10, s12, s22, $0xb8;
	[tilespmem:$0x10510] =	vst v63  }
.Ltmp2:
0x81: {  	_ = 	snop;
	(pc) =	sbr.rel @p0 .LBB2_6-.Ltmp2, $4  }
0x82: {  	s1 =	sadd.s32 $0xA080, s1  }
0x83: {  	[spmem:s4] =	stream.indirect.scatter.add.f32 [tilespmem:s26], [sflag:$0x3], $0x10, s1, s22, $0xb8;
	[tilespmem:$0x10510] =	vst v63  }
0x84: {  	_ =	swait.ge [sflag:s13], $0x800  }
0x85: {  	[sflag:s13] =	ssyncset.done $0x0  }
0x86: {  	[sflag:s13] =	ssyncadd.s32 $0xFFFFF800  }
0x87: {  	_ =	swait.ge [sflag:s25], $0x800  }
0x88: {  	[sflag:s25] =	ssyncset.done $0x0  }
0x89: {  	[sflag:s25] =	ssyncadd.s32 $0xFFFFF800  }
0x8a: {  	[tilespmem:s26], [sflag:$0x2] =	stream.indirect.gather [spmem:s3], $0x10, s29, s22, $0xb8;
	[tilespmem:$0x10510] =	vst v63  }
0x8b: {  	_ = 	snop  }
0x8c: {  	[spmem:s4] =	stream.indirect.scatter.add.f32 [tilespmem:s23], [sflag:$0x3], $0x10, s30, s22, $0xb8;
	[tilespmem:$0x10510] =	vst v63  }
0x8d: {  	_ =	swait.ge [sflag:s13], $0x800  }
0x8e: {  	[sflag:s13] =	ssyncset.done $0x0  }
0x8f: {  	[sflag:s13] =	ssyncadd.s32 $0xFFFFF800  }
0x90: {  	_ =	swait.ge [sflag:s28], $0x800  }
0x91: {  	[sflag:s28] =	ssyncset.done $0x0  }
0x92: {  	[sflag:s28] =	ssyncadd.s32 $0xFFFFF800  }
0x93: {  	[spmem:s4] =	stream.indirect.scatter.add.f32 [tilespmem:s26], [sflag:$0x3], $0x10, s31, s22, $0xb8;
	[tilespmem:$0x10510] =	vst v63  }
0x94: {  	_ =	swait.ge [sflag:s13], $0x800  }
0x95: {  	[sflag:s13] =	ssyncset.done $0x0  }
0x96: {  	s2 =	simm.s32 $0x0;
	[sflag:s13] =	ssyncadd.s32 $0xFFFFF800  }
0x97: {  	s1 =	simm.s32 $0x5000;
	v1 =	vmov s2;
	[bflag:$0x0] =	sbarrier.arrive $0xFFFF  }
0x98: {  	[tilespmem:s1], [sflag:$0x3] =	stream.linear.gather [spmem:s9], $0x2800, $0x38;
	[tilespmem:$0x10510] =	vst v63  }
0x99: {  	_ =	swait.ge [sflag:s13], $0x2800  }
0x9a: {  	[sflag:s13] =	ssyncset.done $0x0  }
0x9b: {  	[sflag:s13] =	ssyncadd.s32 $0xFFFFD800  }
0x9c: {  	v1 =	vld.idx.msk [tilespmem:v1+s16+$0x0], $0xffff  }
0x9d: {  	v3 =	vld [tilespmem:s1+$0x0];
	_ =	sdelay $0x1  }
0x9e: {  	s12 =	simm.s32 $0x1  }
0x9f: {  	v2 =	vmov s12;
	s2 =	simm.s32 $0x2  }
.LBB2_8:
0xa0: {  	p0 =	sne.s32 s2, $0x27F  }
0xa1: {  	v1 =	vmul.f32 v3, v1;
	_ =	sdelay $0x1  }
0xa2: {  	[tilespmem:s1+$0x0] =	vst v1  }
.Ltmp3:
0xa3: {  	s1 =	sadd.s32 $0x10, s1;
	v1 =	vld.idx.msk [tilespmem:v2+s16+$0x0], $0xffff;
	(pc) =	sbr.rel @p0 .LBB2_8-.Ltmp3, $2  }
0xa4: {  	v3 =	vld [tilespmem:s1+$0x0];
	_ =	sdelay $0x2  }
0xa5: {  	v2 =	vmov s2;
	s2 =	sadd.s32 $0x1, s2  }
0xa6: {  	_ = 	snop  }
0xa7: {  	v1 =	vmul.f32 v3, v1;
	_ =	sdelay $0x1  }
0xa8: {  	[tilespmem:s1+$0x0] =	vst v1  }
0xa9: {  	s12 =	sadd.s32 $0x10, s1;
	v1 =	vld.idx.msk [tilespmem:v2+s16+$0x0], $0xffff  }
0xaa: {  	v2 =	vld [tilespmem:s12+$0x0];
	_ =	sdelay $0x4  }
0xab: {  	s0 =	sadd.s32 $0x1, s0;
	v1 =	vmul.f32 v2, v1  }
0xac: {  	p0 =	sne.s32 s0, s11  }
.Ltmp4:
0xad: {  	[tilespmem:s12+$0x0] =	vst v1;
	(pc) =	sbr.rel @p0 .LBB2_1-.Ltmp4, $4  }
0xae: {  	[hbm4b:s24+s5] =	stream.linear.scatter [tilespmem:s18], [sflag:$0x3], $0x2800, $0x38;
	[tilespmem:$0x10510] =	vst v63  }
0xaf: {  	_ =	swait.ge [sflag:s13], $0x2800  }
0xb0: {  	[sflag:s13] =	ssyncset.done $0x0  }
0xb1: {  	[sflag:s13] =	ssyncadd.s32 $0xFFFFD800  }
0xb2: {  	_ =	sfence.sel $0x180000  }
0xb3: {  	[bflag:$0x0] =	sbarrier.arrive $0xFFFF  }
0xb4: {  	_ =	strace $0x9000004D  }
0xb5: {  	s0 =	stileid.u32;
	[bflag:$0x2] =	sbarrier.arrive $0xFFFF  }
0xb6: {  	p0 =	sne.s32 s0, $0x0;
	s0 =	rddreg [dreg:$0x5]  }
0xb7: {  	s0 =	sadd.s32 @!p0 $0x100000, s0  }
0xb8: {  	[sflag:s0] =	ssyncadd.tile.s32 @!p0 $0x1;
	_ =	shalt  }
.Lfunc_end2:
_tile_overlayer_lowered:
.L_overlay_start_2:
0xb9: {  	(tag) =	ssettag $0x2  }
0xba: {  	s0 =	rddreg [dreg:$0x0];
	s2 =	stileid.u32  }
0xbb: {  	s1 =	rddreg [dreg:$0x1];
	p0 =	sne.s32 s2, $0x0  }
0xbc: {  	s3 =	rddreg [dreg:$0x2];
	[bflag:$0x3] =	sbarrier.arrive $0xFFFF;
	s2 =	simm.s32 @!p0 $0x1C03  }
0xbd: {  	[timem:s3], [sflag:s2] =	dma.local @!p0 [hbm:s0], s1  }
0xbe: {  	s0 =	simm.s32 @!p0 $0x3  }
0xbf: {  	_ =	swait.ge @!p0 [sflag:s0], s1  }
0xc0: {  	s1 =	ssub.s32 @!p0 $0x0, s1;
	[sflag:s0] =	ssyncset.done @!p0 $0x0  }
0xc1: {  	[sflag:s0] =	ssyncadd.s32 @!p0 s1  }
0xc2: {  	[bflag:$0x3] =	sbarrier.arrive $0xFFFF  }
0xc3: {  	_ =	shalt  }

// kernel: kernel.8.cloned.1.call-start
scs
__scs_entry_jumppad:
0x0: {  	(pc) =	sbr.rel $0x88, $3  }
0x1: {  	(tag) =	ssettag $0x0;
	lr =	simm.s32 $0x1  }
0x2: {  	[smem:$0x3F9B] =	sst lr;
	_ =	strace $0xD0000000  }
0x3: {  	_ = 	snop  }
0x4: {  	_ = 	snop  }
0x5: {  	_ = 	snop  }
0x6: {  	_ = 	snop  }
0x7: {  	_ = 	snop  }
__scs_overlays_trampoline_lowered:
0x8: {  	[smem:$0x3FAA] =	sst s0  }
0x9: {  	[smem:$0x3FAB] =	sst s1  }
0xa: {  	[smem:$0x3FAC] =	sst s2  }
0xb: {  	[smem:$0x3FAD] =	sst s3  }
0xc: {  	[smem:$0x3FAE] =	sst s4  }
0xd: {  	[smem:$0x3FAF] =	sst s5  }
0xe: {  	[smem:$0x3FB0] =	sst s6  }
0xf: {  	[smem:$0x3FB1] =	sst s7  }
0x10: {  	[smem:$0x3FB2] =	sst s8  }
0x11: {  	[smem:$0x3FB3] =	sst s9;
	s0 =	simm.s32 @!p0 $0x0  }
0x12: {  	s1 =	sld [smem:$0x3F99];
	s0 =	simm.s32 @p0 $0x1  }
0x13: {  	[smem:$0x3FB4] =	sst s0;
	s0 =	simm.s32 @!p1 $0x0  }
0x14: {  	s2 =	sld [smem:$0x3F98];
	s0 =	simm.s32 @p1 $0x1  }
0x15: {  	[smem:$0x3FB5] =	sst s0;
	s0 =	simm.s32 @!p2 $0x0  }
0x16: {  	s3 =	sld [smem:$0x3FDB];
	s0 =	simm.s32 @p2 $0x1  }
0x17: {  	s4 =	simm.s32 $0x1BF5;
	[smem:$0x3FB7] =	sst s0  }
0x18: {  	s0 =	sld [smem:$0x3F9A];
	_ =	swait.ge [sflag:s4], $0x0  }
0x19: {  	s7 =	sld [smem:$0x3F9B]  }
0x1a: {  	s8 =	sadd.s32 $0xFFFFE003, lr  }
0x1b: {  	s9 =	sadd.s32 $0xFFFFFEF7, lr;
	s5 =	simm.s32 $0xFFFFFFFF;
	p2 =	slt.u32 s8, $0xFFFFF086  }
0x1c: {  	p1 =	slt.u32 s9, $0xF7A;
	s5 =	simm.s32 @!p2 $0x0  }
0x1d: {  	s5 =	simm.s32 @p1 $0x1;
	p0 =	seq.s32 s7, s2  }
0x1e: {  	s7 =	smul.u32 @!p0 $0xF7A, s2;
	p2 =	seq.s32 @!p0 s5, $0x0  }
0x1f: {  	s9 =	smul.u32 $0xF7A, s1;
	s8 =	simm.s32 @!p0 $0x1BF5;
	p2 =	por !p2, p0  }
0x20: {  	[sflag:s8] =	ssyncset.s32 @!p0 $0xFFFFF086;
	s6 =	sadd.s32 @!p0 s3, s7;
	s7 =	simm.s32 @!p0 $0x108  }
0x21: {  	s3 =	sadd.s32 s3, s9;
	s6 =	sadd.s32 @!p0 $0x88, s6;
	s7 =	simm.s32 @p2 $0x1082  }
0x22: {  	[simem:s7], [sflag:s8] =	dma.local @!p0 [hbm:s6], $0xF7A  }
0x23: {  	s9 =	sor.u32 $0xD0000000, s2;
	s6 =	simm.s32 $0x108;
	_ =	swait.ge @!p0 [sflag:s8], $0x0  }
0x24: {  	s3 =	sadd.s32 $0x88, s3;
	s6 =	simm.s32 @!p1 $0x1082;
	[sflag:s4] =	ssyncset.s32 $0xFFFFF086  }
0x25: {  	[simem:s6], [sflag:s4] =	dma.local [hbm:s3], $0xF7A  }
0x26: {  	[smem:$0x3F9B] =	sst s1;
	(tag) =	ssettag s2;
	_ =	strace s9  }
0x27: {  	s1 =	sld [smem:$0x3FAB]  }
0x28: {  	s2 =	sld [smem:$0x3FAC]  }
0x29: {  	s4 =	sld [smem:$0x3FAE]  }
0x2a: {  	p0 =	seq.s32 s5, $0x0;
	s5 =	sld [smem:$0x3FAF]  }
0x2b: {  	s6 =	sld [smem:$0x3FB0]  }
0x2c: {  	s7 =	sld [smem:$0x3FB1]  }
0x2d: {  	s3 =	simm.s32 $0x108;
	s8 =	sld [smem:$0x3FB2]  }
0x2e: {  	s3 =	simm.s32 @!p0 $0x1082;
	s9 =	sld [smem:$0x3FB3]  }
0x2f: {  	lr =	sadd.s32 s0, s3;
	s0 =	sld [smem:$0x3FAA]  }
0x30: {  	s3 =	sld [smem:$0x3FAD]  }
0x31: {  	[smem:$0x3FB6] =	sst s10  }
0x32: {  	s10 =	sld [smem:$0x3FB4];
	_ =	sdelay $0x3  }
0x33: {  	p0 =	seq.s32 s10, $0x1;
	s10 =	sld [smem:$0x3FB6];
	_ =	sdelay $0x3  }
0x34: {  	[smem:$0x3FB6] =	sst s10  }
0x35: {  	s10 =	sld [smem:$0x3FB5];
	_ =	sdelay $0x3  }
0x36: {  	p1 =	seq.s32 s10, $0x1;
	s10 =	sld [smem:$0x3FB6];
	_ =	sdelay $0x3  }
0x37: {  	[smem:$0x3FB6] =	sst s10  }
0x38: {  	s10 =	sld [smem:$0x3FB7]  }
0x39: {  	_ = 	snop;
	(pc) =	sbr.ind lr, $3  }
0x3a: {  	_ = 	snop  }
0x3b: {  	_ = 	snop  }
0x3c: {  	p2 =	seq.s32 s10, $0x1;
	s10 =	sld [smem:$0x3FB6]  }
0x3d: {  	_ =	shalt  }
0x3e: {  	_ =	shalt  }
0x3f: {  	_ =	shalt  }
0x40: {  	_ =	shalt  }
0x41: {  	_ =	shalt  }
0x42: {  	_ =	shalt  }
0x43: {  	_ =	shalt  }
0x44: {  	_ =	shalt  }
0x45: {  	_ =	shalt  }
0x46: {  	_ =	shalt  }
0x47: {  	_ =	shalt  }
0x48: {  	_ =	shalt  }
0x49: {  	_ =	shalt  }
0x4a: {  	_ =	shalt  }
0x4b: {  	_ =	shalt  }
0x4c: {  	_ =	shalt  }
0x4d: {  	_ =	shalt  }
0x4e: {  	_ =	shalt  }
0x4f: {  	_ =	shalt  }
0x50: {  	_ =	shalt  }
0x51: {  	_ =	shalt  }
0x52: {  	_ =	shalt  }
0x53: {  	_ =	shalt  }
0x54: {  	_ =	shalt  }
0x55: {  	_ =	shalt  }
0x56: {  	_ =	shalt  }
0x57: {  	_ =	shalt  }
0x58: {  	_ =	shalt  }
0x59: {  	_ =	shalt  }
0x5a: {  	_ =	shalt  }
0x5b: {  	_ =	shalt  }
0x5c: {  	_ =	shalt  }
0x5d: {  	_ =	shalt  }
0x5e: {  	_ =	shalt  }
0x5f: {  	_ =	shalt  }
0x60: {  	_ =	shalt  }
0x61: {  	_ =	shalt  }
0x62: {  	_ =	shalt  }
0x63: {  	_ =	shalt  }
0x64: {  	_ =	shalt  }
0x65: {  	_ =	shalt  }
0x66: {  	_ =	shalt  }
0x67: {  	_ =	shalt  }
0x68: {  	_ =	shalt  }
0x69: {  	_ =	shalt  }
0x6a: {  	_ =	shalt  }
0x6b: {  	_ =	shalt  }
0x6c: {  	_ =	shalt  }
0x6d: {  	_ =	shalt  }
0x6e: {  	_ =	shalt  }
0x6f: {  	_ =	shalt  }
0x70: {  	_ =	shalt  }
0x71: {  	_ =	shalt  }
0x72: {  	_ =	shalt  }
0x73: {  	_ =	shalt  }
0x74: {  	_ =	shalt  }
0x75: {  	_ =	shalt  }
0x76: {  	_ =	shalt  }
0x77: {  	_ =	shalt  }
0x78: {  	_ =	shalt  }
0x79: {  	_ =	shalt  }
0x7a: {  	_ =	shalt  }
0x7b: {  	_ =	shalt  }
0x7c: {  	_ =	shalt  }
0x7d: {  	_ =	shalt  }
0x7e: {  	_ =	shalt  }
0x7f: {  	_ =	shalt  }
0x80: {  	_ =	shalt  }
0x81: {  	_ =	shalt  }
0x82: {  	_ =	shalt  }
0x83: {  	_ =	shalt  }
0x84: {  	_ =	shalt  }
0x85: {  	_ =	shalt  }
0x86: {  	_ =	shalt  }
0x87: {  	_ =	shalt  }
.Lfunc_end0:
.L_simem_size_0:
called_computation_lowered:
.L_overlay_start_0:
0x88: {  	s2 =	sld [smem:$0x3FD9]  }
0x89: {  	s3 =	sld [smem:$0x3FFE];
	_ =	sdelay $0x1  }
0x8a: {  	s1 =	srdreg.scid  }
0x8b: {  	s0 =	sand.u32 $0x1, s1  }
0x8c: {  	s17 =	sshll.u32 s0, $0xA;
	s2 =	sadd.s32 s3, s2  }
0x8d: {  	s2 =	sadd.s32 s2, s17  }
0x8e: {  	[smem:$0x3FC2] =	sst s2  }
0x8f: {  	_ = 	snop  }
0x90: {  	s2 =	sld [smem:$0x3FD0];
	(tm) =	ssettm $0x1  }
0x91: {  	s18 =	sld [smem:$0x3FFB];
	_ =	sdelay $0x3  }
0x92: {  	_ =	strace s18  }
0x93: {  	s3 =	sld [smem:$0x3FFC];
	_ =	sdelay $0x3  }
0x94: {  	_ =	strace s3  }
0x95: {  	s3 =	sld [smem:$0x3FFD];
	_ =	sdelay $0x3  }
0x96: {  	_ =	strace s3  }
0x97: {  	_ =	strace $0x8FFFFFFF  }
0x98: {  	s19 =	sld [smem:$0x3FDB];
	_ =	sdelay $0x1  }
0x99: {  	s4 =	simm.s32 $_scs_section_size  }
0x9a: {  	s5 =	simm.s32 $_size__tile_overlayer_lowered;
	s6 =	simm.s32 $_tile_overlayer_lowered  }
0x9b: {  	s22 =	simm.s32 $0x1BFF;
	s21 =	sshll.u32 s6, $0x1;
	s3 =	sadd.s32 s4, s19  }
0x9c: {  	s7 =	simm.s32 $0x0;
	s20 =	sshll.u32 s5, $0x1;
	s5 =	sadd.s32 s21, s3  }
0x9d: {  	[timem:s7], [sflag:s22] =	dma.local [hbm:s5], s20  }
0x9e: {  	_ =	swait.ge [sflag:s22], s20  }
0x9f: {  	s4 =	ssub.s32 $0x0, s20;
	[sflag:s22] =	ssyncset.done $0x0  }
0xa0: {  	[sflag:s22] =	ssyncadd.s32 s4;
	_ =	sdelay $0x1  }
0xa1: {  	s23 =	simm.s32 $0x1B8B  }
0xa2: {  	_ =	swait.ge [sflag:s23], $0x1  }
0xa3: {  	[sflag:s23] =	ssyncset.done $0x0  }
0xa4: {  	s25 =	simm.s32 $0x1B8E;
	s24 =	sld [smem:$0x3FFE];
	[sflag:s23] =	ssyncadd.s32 $0xFFFFFFFF  }
0xa5: {  	s26 =	simm.s32 $execute0_lowered;
	[smem:$0x3FD2] =	sst s25  }
0xa6: {  	s5 =	sshll.u32 s26, $0x1;
	_ =	strace $0x80000046;
	[dreg:$0x1] =	wrdreg $0xFFFFFFFF  }
0xa7: {  	s28 =	simm.s32 $_size_execute0_lowered;
	s3 =	sadd.s32 s3, s5;
	[dreg:$0x0] =	wrdreg $0x0  }
0xa8: {  	s5 =	sshll.u32 s28, $0x1;
	[dreg:$0x2] =	wrdreg s3  }
0xa9: {  	[dreg:$0x3] =	wrdreg s5  }
0xaa: {  	[dreg:$0x4] =	wrdreg $0xC0  }
0xab: {  	_ =	task [dreg:s7], $0x5FFFF  }
0xac: {  	[dreg:$0x1] =	wrdreg $0xFFFFFFFF  }
0xad: {  	[dreg:$0x0] =	wrdreg $0x60  }
0xae: {  	[dreg:$0x2] =	wrdreg s2  }
0xaf: {  	[dreg:$0x3] =	wrdreg s24  }
0xb0: {  	[dreg:$0x4] =	wrdreg $0x0  }
0xb1: {  	[dreg:$0x5] =	wrdreg $0x9  }
0xb2: {  	_ =	task.clear_ibuf [dreg:s7], $0x6FFFF;
	_ =	strace $0x90000046  }
0xb3: {  	s29 =	simm.s32 $0x9;
	_ =	strace $0x80000048  }
0xb4: {  	_ =	swait.ge [sflag:s29], $0x1  }
0xb5: {  	[sflag:s29] =	ssyncadd.s32 $0xFFFFFFFF  }
0xb6: {  	_ =	strace $0x90000048  }
0xb7: {  	_ =	sfence  }
0xb8: {  	s30 =	sld [smem:$0x0];
	_ =	sdelay $0x2  }
0xb9: {  	s31 =	sshll.u32 s1, $0xD;
	s1 =	sshrl.u32 s1, $0x2  }
0xba: {  	s3 =	sand.u32 $0x4000, s31;
	s1 =	sadd.s32 s1, s30  }
0xbb: {  	s0 =	sor.u32 s3, s0;
	s1 =	sshll.u32 s1, $0x11  }
0xbc: {  	s0 =	sor.u32 s1, s0  }
0xbd: {  	s0 =	sadd.s32 $0x8F2B, s0  }
0xbe: {  	[sflag:s0] =	ssyncadd.remote.s32 $0x1  }
0xbf: {  	_ =	sfence.sel $0xFFFF  }
0xc0: {  	[dreg:$0x0] =	wrdreg $0xFFFFFFFF;
	(pc) =	sbr.abs _section_cstart, $3  }
0xc1: {  	[dreg:$0x1] =	wrdreg $0xFFFFFFFF  }
0xc2: {  	_ =	task.clear_ibuf [dreg:s7], $0x2FFFF;
	_ =	strace $0x9FFFFFFF  }
0xc3: {  	(tm) =	ssettm $0x7FFFFFFF  }
tec
execute0_lowered:
.L_overlay_start_1:
0x0: {  	(tag) =	ssettag $0x1  }
0x1: {  	s7 =	rddreg [dreg:$0x0]  }
0x2: {  	s5 =	rddreg [dreg:$0x1]  }
0x3: {  	s1 =	rddreg [dreg:$0x2]  }
0x4: {  	s0 =	rddreg [dreg:$0x3]  }
0x5: {  	s2 =	simm.s32 $0x0;
	s3 =	srdreg.scid;
	s14 =	simm.s32 $0x280  }
0x6: {  	s15 =	simm.s32 $0x80;
	s16 =	simm.s32 $0x7B00;
	s17 =	simm.s32 $0xA80  }
0x7: {  	s18 =	simm.s32 $0x7B80;
	s19 =	simm.s32 $0x1280;
	s6 =	sand.u32 $0x1, s3  }
0x8: {  	s20 =	simm.s32 $0x7C00;
	s3 =	stileid.u32;
	s8 =	smul.u32 $0x500, s6  }
0x9: {  	s21 =	simm.s32 $0x1A80;
	s22 =	simm.s32 $0x7C80;
	s10 =	smul.u32 $0x280, s3  }
0xa: {  	s23 =	simm.s32 $0x2280;
	[smem:$0x7FF] =	sst s2;
	s12 =	smul.u32 $0x5000, s3  }
0xb: {  	s4 =	sadd.s32 $0x1A00, s5;
	s9 =	ssub.s32 $0x2, s6;
	s31 =	smul.u32 $0xA000, s6  }
0xc: {  	_ =	strace $0x80000047;
	s13 =	smul.u32 $0xA00, s3;
	s11 =	sshrl.u32 s9, $0x1  }
0xd: {  	s8 =	sadd.s32 s8, s5;
	s9 =	ssub.s32 s9, s11;
	s5 =	sadd.s32 s10, s1  }
0xe: {  	s6 =	sadd.s32 $0x280, s10;
	s12 =	sshrl.u32 s12, $0x3;
	s11 =	sadd.s32 s7, s31  }
0xf: {  	s25 =	sshrl.u32 s10, $0x3;
	s10 =	simm.s32 $0x2A80;
	s12 =	sadd.s32 $0x500, s12  }
0x10: {  	s24 =	sadd.s32 $0x1C00, s8;
	s7 =	smax.u32 s9, $0x1;
	s8 =	simm.s32 $0x2  }
0x11: {  	s9 =	sadd.s32 s13, s11;
	s13 =	simm.s32 $0x7A80;
	s11 =	sadd.s32 s12, s11  }
0x12: {  	v0 =	vimm.f32 $0.0e+00;
	v1 =	vimm.f32 $1.000000000e+00;
	s12 =	simm.s32 $0x5280;
	s24 =	sadd.s32 s25, s24;
	s25 =	simm.s32 $0x1  }
.LBB2_1:
0x13: {  	s26 =	simm.s32 $0x40;
	s28 =	simm.s32 $0x0  }
.LBB2_2:
0x14: {  	p0 =	sne.s32 s26, $0x9FC0;
	[tilespmem:s28+$0x280] =	vst v0;
	s28 =	smov.u32 s26;
	s26 =	sadd.s32 $0x40, s26  }
.Ltmp0:
0x15: {  	(pc) =	sbr.rel @p0 .LBB2_2-.Ltmp0, $2  }
0x16: {  	_ =	sdelay $0x2  }
0x17: {  	s28 =	sshra.s32 s28, $0x2  }
0x18: {  	[tilespmem:s28+$0x280] =	vst v0  }
0x19: {  	[spmem:s5] =	stream.linear.scatter [tilespmem:s6], [sflag:$0x2], $0x280, $0x38;
	[tilespmem:$0x7D00] =	vst v63  }
0x1a: {  	_ =	swait.ge [sflag:s8], $0x280  }
0x1b: {  	[sflag:s8] =	ssyncset.done $0x0  }
0x1c: {  	s26 =	simm.s32 $0x0;
	[sflag:s8] =	ssyncadd.s32 $0xFFFFFD80  }
0x1d: {  	[tilespmem:s10], [sflag:$0x2] =	stream.linear.gather [hbm4b:s9+s26], $0x2800, $0x38;
	[tilespmem:$0x7D00] =	vst v63  }
0x1e: {  	_ =	swait.ge [sflag:s8], $0x2800  }
0x1f: {  	[sflag:s8] =	ssyncset.done $0x0  }
0x20: {  	[sflag:s8] =	ssyncadd.s32 $0xFFFFD800  }
0x21: {  	[tilespmem:s12], [sflag:$0x2] =	stream.linear.gather [hbm4b:s11+s26], $0x2800, $0x38;
	[tilespmem:$0x7D00] =	vst v63  }
0x22: {  	_ =	swait.ge [sflag:s8], $0x2800  }
0x23: {  	[sflag:s8] =	ssyncset.done $0x0  }
0x24: {  	[sflag:s8] =	ssyncadd.s32 $0xFFFFD800  }
0x25: {  	[tilespmem:s13], [sflag:$0x2] =	stream.linear.gather [hbm4b:s4+s26], $0x280, $0x38;
	[tilespmem:$0x7D00] =	vst v63  }
0x26: {  	_ =	swait.ge [sflag:s8], $0x280  }
0x27: {  	[sflag:s8] =	ssyncset.done $0x0  }
0x28: {  	[sflag:s8] =	ssyncadd.s32 $0xFFFFFD80  }
.LBB2_4:
0x29: {  	s28 =	sshra.s32 s26, $0x2  }
0x2a: {  	v2 =	vld [tilespmem:s28+$0x2A80];
	_ =	sdelay $0x7  }
0x2b: {  	[tilespmem:v2+s14+$0x0] =	vst.idx.add.f32.msk $0xffff, v1  }
0x2c: {  	v2 =	vld [tilespmem:s28+$0x2A90];
	_ =	sdelay $0x7  }
0x2d: {  	[tilespmem:v2+s14+$0x0] =	vst.idx.add.f32.msk $0xffff, v1  }
0x2e: {  	v2 =	vld [tilespmem:s28+$0x2AA0];
	_ =	sdelay $0x7  }
0x2f: {  	[tilespmem:v2+s14+$0x0] =	vst.idx.add.f32.msk $0xffff, v1  }
0x30: {  	v2 =	vld [tilespmem:s28+$0x2AB0];
	_ =	sdelay $0x7  }
0x31: {  	[tilespmem:v2+s14+$0x0] =	vst.idx.add.f32.msk $0xffff, v1  }
0x32: {  	v2 =	vld [tilespmem:s28+$0x2AC0];
	_ =	sdelay $0x7  }
0x33: {  	[tilespmem:v2+s14+$0x0] =	vst.idx.add.f32.msk $0xffff, v1  }
0x34: {  	v2 =	vld [tilespmem:s28+$0x2AD0];
	_ =	sdelay $0x7  }
0x35: {  	[tilespmem:v2+s14+$0x0] =	vst.idx.add.f32.msk $0xffff, v1  }
0x36: {  	v2 =	vld [tilespmem:s28+$0x2AE0];
	_ =	sdelay $0x7  }
0x37: {  	[tilespmem:v2+s14+$0x0] =	vst.idx.add.f32.msk $0xffff, v1  }
0x38: {  	v2 =	vld [tilespmem:s28+$0x2AF0];
	_ =	sdelay $0x2  }
0x39: {  	p0 =	sne.s32 s26, $0x13E00  }
.Ltmp1:
0x3a: {  	_ = 	snop;
	(pc) =	sbr.rel @p0 .LBB2_4-.Ltmp1, $2  }
0x3b: {  	_ =	sdelay $0x2  }
0x3c: {  	s26 =	sadd.s32 $0x200, s26;
	[tilespmem:v2+s14+$0x0] =	vst.idx.add.f32.msk $0xffff, v1  }
0x3d: {  	[bflag:$0x0] =	sbarrier.arrive $0xFFFF  }
0x3e: {  	[spmem:s1] =	stream.indirect.scatter.add.f32 [tilespmem:s14], [sflag:$0x1], $0x10, s13, s15, $0xb8;
	[tilespmem:$0x7D00] =	vst v63  }
0x3f: {  	_ = 	snop  }
0x40: {  	[spmem:s1] =	stream.indirect.scatter.add.f32 [tilespmem:s17], [sflag:$0x1], $0x10, s16, s15, $0xb8;
	[tilespmem:$0x7D00] =	vst v63  }
0x41: {  	_ = 	snop  }
0x42: {  	[spmem:s1] =	stream.indirect.scatter.add.f32 [tilespmem:s19], [sflag:$0x1], $0x10, s18, s15, $0xb8;
	[tilespmem:$0x7D00] =	vst v63  }
0x43: {  	_ = 	snop  }
0x44: {  	[spmem:s1] =	stream.indirect.scatter.add.f32 [tilespmem:s21], [sflag:$0x1], $0x10, s20, s15, $0xb8;
	[tilespmem:$0x7D00] =	vst v63  }
0x45: {  	_ = 	snop  }
0x46: {  	[spmem:s1] =	stream.indirect.scatter.add.f32 [tilespmem:s23], [sflag:$0x1], $0x10, s22, s15, $0xb8;
	[tilespmem:$0x7D00] =	vst v63  }
0x47: {  	_ =	swait.ge [sflag:s25], $0x800  }
0x48: {  	[sflag:s25] =	ssyncset.done $0x0  }
0x49: {  	[sflag:s25] =	ssyncadd.s32 $0xFFFFF800  }
0x4a: {  	_ =	swait.ge [sflag:s25], $0x800  }
0x4b: {  	[sflag:s25] =	ssyncset.done $0x0  }
0x4c: {  	[sflag:s25] =	ssyncadd.s32 $0xFFFFF800  }
0x4d: {  	_ =	swait.ge [sflag:s25], $0x800  }
0x4e: {  	[sflag:s25] =	ssyncset.done $0x0  }
0x4f: {  	[sflag:s25] =	ssyncadd.s32 $0xFFFFF800  }
0x50: {  	_ =	swait.ge [sflag:s25], $0x800  }
0x51: {  	[sflag:s25] =	ssyncset.done $0x0  }
0x52: {  	[sflag:s25] =	ssyncadd.s32 $0xFFFFF800  }
0x53: {  	_ =	swait.ge [sflag:s25], $0x800  }
0x54: {  	s26 =	sshll.u32 s3, $0x6;
	s2 =	sadd.s32 $0x1, s2;
	[sflag:s25] =	ssyncset.done $0x0  }
0x55: {  	s28 =	sshrl.u32 s5, $0x3;
	p0 =	sne.s32 s2, s7;
	[sflag:s25] =	ssyncadd.s32 $0xFFFFF800  }
.Ltmp2:
0x56: {  	s26 =	sor.u32 $0x1C02, s26;
	[bflag:$0x0] =	sbarrier.arrive $0xFFFF;
	(pc) =	sbr.rel @p0 .LBB2_1-.Ltmp2, $4  }
0x57: {  	[hbm:s24], [sflag:s26] =	dma.local [spmem:s28], $0x50  }
0x58: {  	_ =	swait.ge [sflag:s8], $0x50  }
0x59: {  	[sflag:s8] =	ssyncset.done $0x0  }
0x5a: {  	[sflag:s8] =	ssyncadd.s32 $0xFFFFFFB0  }
0x5b: {  	_ =	sfence.sel $0x180000  }
0x5c: {  	[bflag:$0x0] =	sbarrier.arrive $0xFFFF  }
0x5d: {  	p0 =	sne.s32 s3, $0x0;
	_ =	strace $0x90000047  }
0x5e: {  	s0 =	sadd.s32 @!p0 $0x100000, s0;
	[bflag:$0x2] =	sbarrier.arrive $0xFFFF  }
0x5f: {  	[sflag:s0] =	ssyncadd.tile.s32 @!p0 $0x1;
	_ =	shalt  }
.Lfunc_end2:
_tile_overlayer_lowered:
.L_overlay_start_2:
0x60: {  	(tag) =	ssettag $0x2  }
0x61: {  	s0 =	rddreg [dreg:$0x0];
	s2 =	stileid.u32  }
0x62: {  	s1 =	rddreg [dreg:$0x1];
	p0 =	sne.s32 s2, $0x0  }
0x63: {  	s3 =	rddreg [dreg:$0x2];
	[bflag:$0x3] =	sbarrier.arrive $0xFFFF;
	s2 =	simm.s32 @!p0 $0x1C02  }
0x64: {  	[timem:s3], [sflag:s2] =	dma.local @!p0 [hbm:s0], s1  }
0x65: {  	s0 =	simm.s32 @!p0 $0x2  }
0x66: {  	_ =	swait.ge @!p0 [sflag:s0], s1  }
0x67: {  	s1 =	ssub.s32 @!p0 $0x0, s1;
	[sflag:s0] =	ssyncset.done @!p0 $0x0  }
0x68: {  	[sflag:s0] =	ssyncadd.s32 @!p0 s1  }
0x69: {  	[bflag:$0x3] =	sbarrier.arrive $0xFFFF  }
0x6a: {  	_ =	shalt  }

</sc_bundles>
